<compile_context>
chip_gen: v7x
topology: tpu7x:2x2x1
jax: 0.10.2.dev20260603
libtpu: 0.0.44.dev20260713+nightly
codegen_flags: <defaults>
</compile_context>

<pallas_src>
import functools

import jax
import jax.numpy as jnp
from jax import lax
from jax.experimental import pallas as pl
from jax.experimental.pallas import tpu as pltpu
from jax.experimental.pallas import tpu_sc as plsc

_NUM_CHIPS = 4
_EPC = 16
_E = 64
_MDL = 8
_MAX_DISP = 512
_SEQ = 2048
_HID = 1024
_TOPK = 2

_N = _SEQ * _TOPK
_TOT = _NUM_CHIPS * _N
_ROWS = _NUM_CHIPS * _SEQ
_ZROW = _ROWS
_CHUNK = 32
_NCHUNK = _MAX_DISP // _CHUNK


def _dispatch_kernel(x_hbm, idx_hbm, w_hbm, disp_hbm, meta_hbm, cnt_hbm,
                     idx_v, w_v, src_v, chunk_a, chunk_b, meta_v, cnt_v,
                     g_sem, s_sem0, s_sem1):
    nc = 2
    wid = lax.axis_index("s") * nc + lax.axis_index("c")

    pltpu.sync_copy(idx_hbm, idx_v)
    pltpu.sync_copy(w_hbm, w_v)

    lanes = lax.iota(jnp.int32, 16)

    def init_zrow(i, _):
        src_v[pl.ds(i * 16, 16)] = jnp.full((16,), _ZROW, jnp.int32)
        return 0
    lax.fori_loop(0, _CHUNK // 16, init_zrow, 0)
    pltpu.async_copy(x_hbm.at[src_v.at[pl.ds(0, _CHUNK)]], chunk_b,
                     g_sem).wait()

    for ei in range(2):
        e = wid * 2 + ei

        def init_src(i, _):
            src_v[pl.ds(i * 16, 16)] = jnp.full((16,), 2 * _ZROW, jnp.int32)
            return 0
        lax.fori_loop(0, (_MAX_DISP + 64) // 16, init_src, 0)

        ev = jnp.full((16,), e, jnp.int32)

        def scan_body(g, pos):
            v = idx_v[pl.ds(g * 16, 16)]
            m = v == ev
            src = jnp.full((16,), g * 16, jnp.int32) + lanes
            mi = m.astype(jnp.int32)
            r = plsc.cumsum(mi)
            tgt = jnp.full((16,), pos - 1, jnp.int32) + r
            plsc.store_scatter(src_v, [tgt], src, mask=m)
            return pos + jnp.sum(mi)

        total = lax.fori_loop(0, _TOT // 16, scan_body, 0)
        fill = jnp.minimum(total, _MAX_DISP)

        def init_meta(i, _):
            meta_v[pl.ds(i * 16, 16)] = jnp.full((16,), -1.0, jnp.float32)
            return 0
        lax.fori_loop(0, (_MAX_DISP * _MDL) // 16, init_meta, 0)

        fill_v = jnp.full((16,), fill, jnp.int32)
        ef = jnp.full((16,), e, jnp.int32).astype(jnp.float32)

        def meta_body(g, _):
            i = jnp.full((16,), g * 16, jnp.int32) + lanes
            m = i < fill_v
            s = src_v[pl.ds(g * 16, 16)]
            twelve = jnp.full((16,), 12, jnp.int32)
            one = jnp.full((16,), 1, jnp.int32)
            chip = lax.shift_right_logical(s, twelve)
            token = lax.shift_right_logical(s, one) & jnp.full(
                (16,), 2047, jnp.int32)
            kslot = s & one
            s_g = s & jnp.full((16,), _TOT - 1, jnp.int32)
            w = plsc.load_gather(w_v, [s_g])
            zero_f = jnp.full((16,), 0.0, jnp.float32)
            base8 = i * jnp.full((16,), _MDL, jnp.int32)
            plsc.store_scatter(meta_v, [base8], chip.astype(jnp.float32),
                               mask=m)
            plsc.store_scatter(meta_v, [base8 + one],
                               token.astype(jnp.float32), mask=m)
            plsc.store_scatter(meta_v, [base8 + one + one],
                               kslot.astype(jnp.float32), mask=m)
            plsc.store_scatter(meta_v, [base8 + jnp.full((16,), 3, jnp.int32)],
                               ef, mask=m)
            plsc.store_scatter(meta_v, [base8 + jnp.full((16,), 4, jnp.int32)],
                               w, mask=m)
            plsc.store_scatter(meta_v, [base8 + jnp.full((16,), 5, jnp.int32)],
                               zero_f, mask=m)
            plsc.store_scatter(meta_v, [base8 + jnp.full((16,), 6, jnp.int32)],
                               zero_f, mask=m)
            plsc.store_scatter(meta_v, [base8 + jnp.full((16,), 7, jnp.int32)],
                               zero_f, mask=m)
            return 0
        lax.fori_loop(0, _MAX_DISP // 16, meta_body, 0)
        pltpu.sync_copy(meta_v,
                        meta_hbm.at[pl.ds(e * _MAX_DISP * _MDL,
                                          _MAX_DISP * _MDL)])

        one_v = jnp.full((16,), 1, jnp.int32)

        def shift_body(i, _):
            v = src_v[pl.ds(i * 16, 16)]
            src_v[pl.ds(i * 16, 16)] = lax.shift_right_logical(v, one_v)
            return 0
        lax.fori_loop(0, _MAX_DISP // 16, shift_body, 0)

        ng = lax.shift_right_logical(fill + (_CHUNK - 1), 5)

        def real_body(ch, _):
            idx_ref = src_v.at[pl.ds(ch * _CHUNK, _CHUNK)]
            pltpu.async_copy(x_hbm.at[idx_ref], chunk_a, g_sem).wait()
            pltpu.sync_copy(
                chunk_a, disp_hbm.at[pl.ds(e * _MAX_DISP + ch * _CHUNK,
                                           _CHUNK)])
            return 0
        lax.fori_loop(0, ng, real_body, 0)

        def zero_body(ch, _):
            pltpu.sync_copy(
                chunk_b, disp_hbm.at[pl.ds(e * _MAX_DISP + ch * _CHUNK,
                                           _CHUNK)])
            return 0
        lax.fori_loop(ng, _NCHUNK, zero_body, 0)

        cnt_v[...] = jnp.full((16,), total, jnp.int32)
        pltpu.sync_copy(cnt_v, cnt_hbm.at[pl.ds(e * 16, 16)])


@jax.jit
def _dispatch(x_pad, idx_flat, w_flat):
    mesh = plsc.VectorSubcoreMesh(core_axis_name="c", subcore_axis_name="s")
    kern = functools.partial(
        pl.kernel,
        mesh=mesh,
        compiler_params=pltpu.CompilerParams(needs_layout_passes=False),
        out_type=(
            jax.ShapeDtypeStruct((_E * _MAX_DISP, _HID), jnp.float32),
            jax.ShapeDtypeStruct((_E * _MAX_DISP * _MDL,), jnp.float32),
            jax.ShapeDtypeStruct((_E * 16,), jnp.int32),
        ),
        scratch_types=[
            pltpu.VMEM((_TOT,), jnp.int32),
            pltpu.VMEM((_TOT,), jnp.float32),
            pltpu.VMEM((_TOT + 16,), jnp.int32),
            pltpu.VMEM((_CHUNK, _HID), jnp.float32),
            pltpu.VMEM((_CHUNK, _HID), jnp.float32),
            pltpu.VMEM((_MAX_DISP * _MDL,), jnp.float32),
            pltpu.VMEM((16,), jnp.int32),
            pltpu.SemaphoreType.DMA,
            pltpu.SemaphoreType.DMA,
            pltpu.SemaphoreType.DMA,
        ],
    )(_dispatch_kernel)
    return kern(x_pad, idx_flat, w_flat)


def kernel(x, weights, indices):
    num_chips, seq_len, hidden = x.shape
    x_flat = x.reshape(num_chips * seq_len, hidden)
    x_pad = jnp.concatenate(
        [x_flat, jnp.zeros((8, hidden), dtype=x.dtype)], axis=0)
    idx_flat = indices.reshape(-1).astype(jnp.int32)
    w_flat = weights.reshape(-1).astype(jnp.float32)

    disp, meta, cnt = _dispatch(x_pad, idx_flat, w_flat)

    dispatched = disp.reshape(num_chips, _EPC, _MAX_DISP, hidden)
    metadata = meta.reshape(num_chips, _EPC, _MAX_DISP, _MDL)
    experts_counter = cnt.reshape(_E, 16)[:, 0].reshape(num_chips, _EPC)
    return (dispatched, metadata, experts_counter)

# --- scband reference (transcript-rebuilt; emitter-appended) ---
"""Pipeline reference for scband-torch-dispatch-module-79276506349866 (READ-ONLY COPY).

The authoritative reference and input builder live on the scoring server;
editing this copy changes nothing except your own understanding.
"""

import jax, jax.numpy as jnp
import numpy as np

NUM_CHIPS = 4
EXPERTS_PER_CHIP = 16
N_ROUTED_EXPERTS = 64
METADATA_LEN = 8
MAX_DISP = 512
SEQ_LEN = 2048
HIDDEN = 1024
TOPK = 2


def setup_inputs(seed: int = 0):
    key = jax.random.key(seed)
    k1, k2, k3 = jax.random.split(key, 3)
    x = jax.random.normal(k1, (NUM_CHIPS, SEQ_LEN, HIDDEN), dtype=jnp.float32)
    weights = jax.random.uniform(k2, (NUM_CHIPS, SEQ_LEN, TOPK), dtype=jnp.float32)
    indices = jax.random.randint(k3, (NUM_CHIPS, SEQ_LEN, TOPK), 0, N_ROUTED_EXPERTS, dtype=jnp.int32)
    return {"x": x, "weights": weights, "indices": indices}


def reference(x, weights, indices):
    num_chips, seq_len, hidden = x.shape
    topk = indices.shape[-1]
    E = N_ROUTED_EXPERTS
    N = seq_len * topk
    idx_flat = indices.reshape(num_chips, N)  # [C, N], topk fastest -> matches torch loop order

    # Pass 1: per-(chip, expert) counts, exactly like the torch counting loop.
    onehot = jax.nn.one_hot(idx_flat, E, dtype=jnp.int32)  # [C, N, E]
    counts = onehot.sum(axis=1)  # [C, E]
    cum = jnp.cumsum(counts, axis=0)  # [C, E]
    base = jnp.concatenate([jnp.zeros((1, E), dtype=jnp.int32), cum[:-1].astype(jnp.int32)], axis=0)  # exclusive-over-chips offset

    # Running rank of each assignment within its (chip, expert), in (token, topk) order.
    run = jnp.cumsum(onehot, axis=1)  # inclusive running count [C, N, E]
    rank = jnp.take_along_axis(run, idx_flat[..., None], axis=2)[..., 0] - 1  # [C, N]
    dst = jnp.take_along_axis(base, idx_flat, axis=1) + rank  # [C, N] slot index within expert buffer

    # Flattened destination slot: expert e lands in chip e // EPC, local index e % EPC,
    # so the flat slot over (num_chips, EPC, MAX_DISP) is simply e * MAX_DISP + dst.
    valid = dst < MAX_DISP
    slot = jnp.where(valid, idx_flat * MAX_DISP + dst, E * MAX_DISP)  # drop slot for overflow
    slot_flat = slot.reshape(-1)

    # Dispatched tokens (scatter-overwrite; slots are unique by construction).
    x_rep = jnp.repeat(x, topk, axis=1).reshape(num_chips * N, hidden)
    dispatched_flat = jnp.zeros((E * MAX_DISP + 1, hidden), dtype=jnp.float32).at[slot_flat].set(x_rep)
    dispatched = dispatched_flat[: E * MAX_DISP].reshape(num_chips, EXPERTS_PER_CHIP, MAX_DISP, hidden)

    # Metadata rows: [chip, token, topk_indice, routed_expert, weight, 0, ...]
    chip_f = jnp.broadcast_to(jnp.arange(num_chips, dtype=jnp.float32)[:, None], (num_chips, N))
    token_f = jnp.broadcast_to(jnp.repeat(jnp.arange(seq_len, dtype=jnp.float32), topk)[None, :], (num_chips, N))
    topk_f = jnp.broadcast_to(jnp.tile(jnp.arange(topk, dtype=jnp.float32), seq_len)[None, :], (num_chips, N))
    expert_f = idx_flat.astype(jnp.float32)
    w_flat = weights.reshape(num_chips, N)
    meta_rows = jnp.stack([chip_f, token_f, topk_f, expert_f, w_flat], axis=-1)
    pad = jnp.zeros((num_chips, N, METADATA_LEN - 5), dtype=jnp.float32)
    meta_rows = jnp.concatenate([meta_rows, pad], axis=-1).reshape(num_chips * N, METADATA_LEN)
    metadata_flat = jnp.full((E * MAX_DISP + 1, METADATA_LEN), -1.0, dtype=jnp.float32).at[slot_flat].set(meta_rows)
    metadata = metadata_flat[: E * MAX_DISP].reshape(num_chips, EXPERTS_PER_CHIP, MAX_DISP, METADATA_LEN)

    experts_counter = counts.sum(axis=0).reshape(num_chips, EXPERTS_PER_CHIP).astype(jnp.int32)
    return (dispatched, metadata, experts_counter)

if __name__ == "__main__":
    import jax
    _d = setup_inputs()
    print(jax.jit(kernel)(*tuple(_d.values())))

</pallas_src>

<mosaic_0001>
#map = affine_map<(d0, d1) -> (0, 0)>
#map1 = affine_map<(d0, d1) -> (0)>
module attributes {stable_mosaic.version = 14 : i64} {
  func.func @_dispatch_kernel(%arg0: i32, %arg1: i32, %arg2: memref<8200x1024xf32, #tpu.memory_space<hbm>>, %arg3: memref<16384xi32, #tpu.memory_space<hbm>>, %arg4: memref<16384xf32, #tpu.memory_space<hbm>>, %arg5: memref<32768x1024xf32, #tpu.memory_space<hbm>>, %arg6: memref<262144xf32, #tpu.memory_space<hbm>>, %arg7: memref<1024xi32, #tpu.memory_space<hbm>>, %arg8: memref<16384xi32, #tpu.memory_space<vmem>>, %arg9: memref<16384xf32, #tpu.memory_space<vmem>>, %arg10: memref<16400xi32, #tpu.memory_space<vmem>>, %arg11: memref<32x1024xf32, #tpu.memory_space<vmem>>, %arg12: memref<32x1024xf32, #tpu.memory_space<vmem>>, %arg13: memref<4096xf32, #tpu.memory_space<vmem>>, %arg14: memref<16xi32, #tpu.memory_space<vmem>>, %arg15: memref<!tpu.dma_semaphore, #tpu.memory_space<semaphore_mem>>, %arg16: memref<!tpu.dma_semaphore, #tpu.memory_space<semaphore_mem>>, %arg17: memref<!tpu.dma_semaphore, #tpu.memory_space<semaphore_mem>>) attributes {dimension_semantics = [#tpu.dimension_semantics<core_parallel>, #tpu.dimension_semantics<subcore_parallel>], iteration_bounds = array<i64: 2, 16>, scalar_prefetch = 0 : i64, scratch_operands = 10 : i64, tpu.core_type = #tpu.core_type<sc_vector_subcore>, window_params = [{transform_indices = #map}, {transform_indices = #map1}, {transform_indices = #map1}, {transform_indices = #map}, {transform_indices = #map1}, {transform_indices = #map1}]} {
    %mul3A = arith.constant 2 : i32
    %mul3A_0 = arith.muli %arg1, %mul3A : i32
    %add3A = arith.addi %mul3A_0, %arg0 : i32
    "tpu.region"() ({
      %run_scoped3A = tpu.sem_alloc : memref<!tpu.dma_semaphore, #tpu.memory_space<semaphore_mem>>
      tpu.enqueue_dma source(%arg3 : memref<16384xi32, #tpu.memory_space<hbm>>) target(%arg8 : memref<16384xi32, #tpu.memory_space<vmem>>) target_semaphore(%run_scoped3A : memref<!tpu.dma_semaphore, #tpu.memory_space<semaphore_mem>>)
      tpu.wait_dma2 semaphore(%run_scoped3A : memref<!tpu.dma_semaphore, #tpu.memory_space<semaphore_mem>>) src(%arg3 : memref<16384xi32, #tpu.memory_space<hbm>>) dst(%arg8 : memref<16384xi32, #tpu.memory_space<vmem>>)
      tpu.yield
    }) : () -> ()
    "tpu.region"() ({
      %run_scoped3A = tpu.sem_alloc : memref<!tpu.dma_semaphore, #tpu.memory_space<semaphore_mem>>
      tpu.enqueue_dma source(%arg4 : memref<16384xf32, #tpu.memory_space<hbm>>) target(%arg9 : memref<16384xf32, #tpu.memory_space<vmem>>) target_semaphore(%run_scoped3A : memref<!tpu.dma_semaphore, #tpu.memory_space<semaphore_mem>>)
      tpu.wait_dma2 semaphore(%run_scoped3A : memref<!tpu.dma_semaphore, #tpu.memory_space<semaphore_mem>>) src(%arg4 : memref<16384xf32, #tpu.memory_space<hbm>>) dst(%arg9 : memref<16384xf32, #tpu.memory_space<vmem>>)
      tpu.yield
    }) : () -> ()
    %iota3A = tpu.iota {dimensions = array<i32: 0>} : vector<16xi32>
    %scan3A = arith.constant 0 : i32
    %scan3A_1 = arith.constant 0 : i32
    %scan3A_2 = arith.constant 2 : i32
    %scan3A_3 = arith.addi %scan3A_1, %scan3A_2 : i32
    %scan3A_4 = arith.constant 1 : i32
    %scan3A_5 = scf.for %scan3A_177 = %scan3A_1 to %scan3A_3 step %scan3A_4 iter_args(%scan3A_178 = %scan3A) -> (i32)  : i32 {
      %broadcast_in_dim3A_179 = arith.constant 8192 : i32
      %broadcast_in_dim3A_180 = vector.broadcast %broadcast_in_dim3A_179 : i32 to vector<16xi32>
      %mul3A_181 = arith.constant 16 : i32
      %mul3A_182 = arith.muli %scan3A_177, %mul3A_181 : i32
      %swap3A_183 = arith.index_cast %mul3A_182 : i32 to index
      %swap3A_184 = tpu.vector_load %arg10[%swap3A_183] {strides = array<i32>} : memref<16400xi32, #tpu.memory_space<vmem>>, vector<16xi32>,
      tpu.vector_store %arg10[%swap3A_183], %broadcast_in_dim3A_180 {strides = array<i32>} : memref<16400xi32, #tpu.memory_space<vmem>>, vector<16xi32>,
      %scan3A_185 = arith.constant 0 : i32
      scf.yield %scan3A_185 : i32
    }
    %scan3A_6 = arith.constant 2 : i32
    %dma_start3A = arith.constant 0 : i32
    %dma_start3A_7 = tpu.memref_slice %arg10[%dma_start3A] : memref<16400xi32, #tpu.memory_space<vmem>> -> memref<32xi32, #tpu.memory_space<vmem>>
    %dma_start3A_8 = arith.constant 0 : i32
    %dma_start3A_9 = arith.constant 0 : i32
    %dma_start3A_10 = tpu.memref_slice %arg2[%dma_start3A_8, %dma_start3A_9] : memref<8200x1024xf32, #tpu.memory_space<hbm>> -> memref<8200x1024xf32, #tpu.memory_space<hbm>>
    tpu.enqueue_indirect_dma source(%dma_start3A_10 : memref<8200x1024xf32, #tpu.memory_space<hbm>>) target(%arg12 : memref<32x1024xf32, #tpu.memory_space<vmem>>) offsets(%dma_start3A_7 : memref<32xi32, #tpu.memory_space<vmem>>) semaphore(%arg15 : memref<!tpu.dma_semaphore, #tpu.memory_space<semaphore_mem>>)
    %dma_wait3A = arith.constant 0 : i32
    %dma_wait3A_11 = tpu.memref_slice %arg10[%dma_wait3A] : memref<16400xi32, #tpu.memory_space<vmem>> -> memref<32xi32, #tpu.memory_space<vmem>>
    %dma_wait3A_12 = arith.constant 0 : i32
    %dma_wait3A_13 = arith.constant 0 : i32
    %dma_wait3A_14 = tpu.memref_slice %arg2[%dma_wait3A_12, %dma_wait3A_13] : memref<8200x1024xf32, #tpu.memory_space<hbm>> -> memref<8200x1024xf32, #tpu.memory_space<hbm>>
    tpu.wait_indirect_dma semaphore(%arg15 : memref<!tpu.dma_semaphore, #tpu.memory_space<semaphore_mem>>) src(%dma_wait3A_14 : memref<8200x1024xf32, #tpu.memory_space<hbm>>) dst(%arg12 : memref<32x1024xf32, #tpu.memory_space<vmem>>)
    %mul3A_15 = arith.constant 2 : i32
    %mul3A_16 = arith.muli %add3A, %mul3A_15 : i32
    %add3A_17 = arith.constant 0 : i32
    %add3A_18 = arith.addi %mul3A_16, %add3A_17 : i32
    %scan3A_19 = arith.constant 0 : i32
    %scan3A_20 = arith.constant 0 : i32
    %scan3A_21 = arith.constant 36 : i32
    %scan3A_22 = arith.addi %scan3A_20, %scan3A_21 : i32
    %scan3A_23 = arith.constant 1 : i32
    %scan3A_24 = scf.for %scan3A_177 = %scan3A_20 to %scan3A_22 step %scan3A_23 iter_args(%scan3A_178 = %scan3A_19) -> (i32)  : i32 {
      %broadcast_in_dim3A_179 = arith.constant 16384 : i32
      %broadcast_in_dim3A_180 = vector.broadcast %broadcast_in_dim3A_179 : i32 to vector<16xi32>
      %mul3A_181 = arith.constant 16 : i32
      %mul3A_182 = arith.muli %scan3A_177, %mul3A_181 : i32
      %swap3A_183 = arith.index_cast %mul3A_182 : i32 to index
      %swap3A_184 = tpu.vector_load %arg10[%swap3A_183] {strides = array<i32>} : memref<16400xi32, #tpu.memory_space<vmem>>, vector<16xi32>,
      tpu.vector_store %arg10[%swap3A_183], %broadcast_in_dim3A_180 {strides = array<i32>} : memref<16400xi32, #tpu.memory_space<vmem>>, vector<16xi32>,
      %scan3A_185 = arith.constant 0 : i32
      scf.yield %scan3A_185 : i32
    }
    %scan3A_25 = arith.constant 36 : i32
    %broadcast_in_dim3A = vector.broadcast %add3A_18 : i32 to vector<16xi32>
    %scan3A_26 = arith.constant 0 : i32
    %scan3A_27 = arith.constant 0 : i32
    %scan3A_28 = arith.constant 1024 : i32
    %scan3A_29 = arith.addi %scan3A_27, %scan3A_28 : i32
    %scan3A_30 = arith.constant 1 : i32
    %scan3A_31 = scf.for %scan3A_177 = %scan3A_27 to %scan3A_29 step %scan3A_30 iter_args(%scan3A_178 = %scan3A_26) -> (i32)  : i32 {
      %mul3A_179 = arith.constant 16 : i32
      %mul3A_180 = arith.muli %scan3A_177, %mul3A_179 : i32
      %get3A = arith.index_cast %mul3A_180 : i32 to index
      %get3A_181 = tpu.vector_load %arg8[%get3A] {strides = array<i32>} : memref<16384xi32, #tpu.memory_space<vmem>>, vector<16xi32>,
      %eq3A = arith.cmpi eq, %get3A_181, %broadcast_in_dim3A : vector<16xi32>
      %mul3A_182 = arith.constant 16 : i32
      %mul3A_183 = arith.muli %scan3A_177, %mul3A_182 : i32
      %broadcast_in_dim3A_184 = vector.broadcast %mul3A_183 : i32 to vector<16xi32>
      %add3A_185 = arith.addi %broadcast_in_dim3A_184, %iota3A : vector<16xi32>
      %convert_element_type3A_186 = arith.extui %eq3A : vector<16xi1> to vector<16xi32>
      %broadcast_in_dim3A_187 = arith.constant true
      %broadcast_in_dim3A_188 = vector.broadcast %broadcast_in_dim3A_187 : i1 to vector<16xi1>
      %masked_cumsum3A = tpu.scan <sum>, %convert_element_type3A_186 masked %broadcast_in_dim3A_188 : vector<16xi32>, vector<16xi1> -> vector<16xi32>
      %sub3A = arith.constant 1 : i32
      %sub3A_189 = arith.subi %scan3A_178, %sub3A : i32
      %broadcast_in_dim3A_190 = vector.broadcast %sub3A_189 : i32 to vector<16xi32>
      %add3A_191 = arith.addi %broadcast_in_dim3A_190, %masked_cumsum3A : vector<16xi32>
      tpu.vector_store_idx %arg10[%add3A_191], %add3A_185 masked %eq3A : memref<16400xi32, #tpu.memory_space<vmem>>[vector<16xi32>], vector<16xi32>, vector<16xi1>
      %reduce_sum3A = arith.constant true
      %reduce_sum3A_192 = vector.broadcast %reduce_sum3A : i1 to vector<16xi1>
      %reduce_sum3A_193 = tpu.scan <sum>, %convert_element_type3A_186 masked %reduce_sum3A_192 : vector<16xi32>, vector<16xi1> -> vector<16xi32>
      %reduce_sum3A_194 = vector.extract %reduce_sum3A_193[15] : i32 from vector<16xi32>
      %add3A_195 = arith.addi %scan3A_178, %reduce_sum3A_194 : i32
      scf.yield %add3A_195 : i32
    }
    %scan3A_32 = arith.constant 1024 : i32
    %min3A = arith.constant 512 : i32
    %min3A_33 = arith.minsi %scan3A_31, %min3A : i32
    %scan3A_34 = arith.constant 0 : i32
    %scan3A_35 = arith.constant 0 : i32
    %scan3A_36 = arith.constant 256 : i32
    %scan3A_37 = arith.addi %scan3A_35, %scan3A_36 : i32
    %scan3A_38 = arith.constant 1 : i32
    %scan3A_39 = scf.for %scan3A_177 = %scan3A_35 to %scan3A_37 step %scan3A_38 iter_args(%scan3A_178 = %scan3A_34) -> (i32)  : i32 {
      %broadcast_in_dim3A_179 = arith.constant -1.000000e+00 : f32
      %broadcast_in_dim3A_180 = vector.broadcast %broadcast_in_dim3A_179 : f32 to vector<16xf32>
      %mul3A_181 = arith.constant 16 : i32
      %mul3A_182 = arith.muli %scan3A_177, %mul3A_181 : i32
      %swap3A_183 = arith.index_cast %mul3A_182 : i32 to index
      %swap3A_184 = tpu.vector_load %arg13[%swap3A_183] {strides = array<i32>} : memref<4096xf32, #tpu.memory_space<vmem>>, vector<16xf32>,
      tpu.vector_store %arg13[%swap3A_183], %broadcast_in_dim3A_180 {strides = array<i32>} : memref<4096xf32, #tpu.memory_space<vmem>>, vector<16xf32>,
      %scan3A_185 = arith.constant 0 : i32
      scf.yield %scan3A_185 : i32
    }
    %scan3A_40 = arith.constant 256 : i32
    %broadcast_in_dim3A_41 = vector.broadcast %min3A_33 : i32 to vector<16xi32>
    %broadcast_in_dim3A_42 = vector.broadcast %add3A_18 : i32 to vector<16xi32>
    %convert_element_type3A = arith.sitofp %broadcast_in_dim3A_42 : vector<16xi32> to vector<16xf32>
    %scan3A_43 = arith.constant 0 : i32
    %scan3A_44 = arith.constant 0 : i32
    %scan3A_45 = arith.constant 32 : i32
    %scan3A_46 = arith.addi %scan3A_44, %scan3A_45 : i32
    %scan3A_47 = arith.constant 1 : i32
    %scan3A_48 = scf.for %scan3A_177 = %scan3A_44 to %scan3A_46 step %scan3A_47 iter_args(%scan3A_178 = %scan3A_43) -> (i32)  : i32 {
      %mul3A_179 = arith.constant 16 : i32
      %mul3A_180 = arith.muli %scan3A_177, %mul3A_179 : i32
      %broadcast_in_dim3A_181 = vector.broadcast %mul3A_180 : i32 to vector<16xi32>
      %add3A_182 = arith.addi %broadcast_in_dim3A_181, %iota3A : vector<16xi32>
      %lt3A = arith.cmpi slt, %add3A_182, %broadcast_in_dim3A_41 : vector<16xi32>
      %mul3A_183 = arith.constant 16 : i32
      %mul3A_184 = arith.muli %scan3A_177, %mul3A_183 : i32
      %get3A = arith.index_cast %mul3A_184 : i32 to index
      %get3A_185 = tpu.vector_load %arg10[%get3A] {strides = array<i32>} : memref<16400xi32, #tpu.memory_space<vmem>>, vector<16xi32>,
      %broadcast_in_dim3A_186 = arith.constant 12 : i32
      %broadcast_in_dim3A_187 = vector.broadcast %broadcast_in_dim3A_186 : i32 to vector<16xi32>
      %broadcast_in_dim3A_188 = arith.constant 1 : i32
      %broadcast_in_dim3A_189 = vector.broadcast %broadcast_in_dim3A_188 : i32 to vector<16xi32>
      %shift_right_logical3A_190 = arith.shrui %get3A_185, %broadcast_in_dim3A_187 : vector<16xi32>
      %shift_right_logical3A_191 = arith.shrui %get3A_185, %broadcast_in_dim3A_189 : vector<16xi32>
      %broadcast_in_dim3A_192 = arith.constant 2047 : i32
      %broadcast_in_dim3A_193 = vector.broadcast %broadcast_in_dim3A_192 : i32 to vector<16xi32>
      %and3A = arith.andi %shift_right_logical3A_191, %broadcast_in_dim3A_193 : vector<16xi32>
      %and3A_194 = arith.andi %get3A_185, %broadcast_in_dim3A_189 : vector<16xi32>
      %broadcast_in_dim3A_195 = arith.constant 16383 : i32
      %broadcast_in_dim3A_196 = vector.broadcast %broadcast_in_dim3A_195 : i32 to vector<16xi32>
      %and3A_197 = arith.andi %get3A_185, %broadcast_in_dim3A_196 : vector<16xi32>
      %gather3A = tpu.vector_load_idx %arg9[%and3A_197] : memref<16384xf32, #tpu.memory_space<vmem>>[vector<16xi32>], vector<16xf32>,
      %broadcast_in_dim3A_198 = arith.constant 0.000000e+00 : f32
      %broadcast_in_dim3A_199 = vector.broadcast %broadcast_in_dim3A_198 : f32 to vector<16xf32>
      %broadcast_in_dim3A_200 = arith.constant 8 : i32
      %broadcast_in_dim3A_201 = vector.broadcast %broadcast_in_dim3A_200 : i32 to vector<16xi32>
      %mul3A_202 = arith.muli %add3A_182, %broadcast_in_dim3A_201 : vector<16xi32>
      %convert_element_type3A_203 = arith.sitofp %shift_right_logical3A_190 : vector<16xi32> to vector<16xf32>
      tpu.vector_store_idx %arg13[%mul3A_202], %convert_element_type3A_203 masked %lt3A : memref<4096xf32, #tpu.memory_space<vmem>>[vector<16xi32>], vector<16xf32>, vector<16xi1>
      %add3A_204 = arith.addi %mul3A_202, %broadcast_in_dim3A_189 : vector<16xi32>
      %convert_element_type3A_205 = arith.sitofp %and3A : vector<16xi32> to vector<16xf32>
      tpu.vector_store_idx %arg13[%add3A_204], %convert_element_type3A_205 masked %lt3A : memref<4096xf32, #tpu.memory_space<vmem>>[vector<16xi32>], vector<16xf32>, vector<16xi1>
      %add3A_206 = arith.addi %mul3A_202, %broadcast_in_dim3A_189 : vector<16xi32>
      %add3A_207 = arith.addi %add3A_206, %broadcast_in_dim3A_189 : vector<16xi32>
      %convert_element_type3A_208 = arith.sitofp %and3A_194 : vector<16xi32> to vector<16xf32>
      tpu.vector_store_idx %arg13[%add3A_207], %convert_element_type3A_208 masked %lt3A : memref<4096xf32, #tpu.memory_space<vmem>>[vector<16xi32>], vector<16xf32>, vector<16xi1>
      %broadcast_in_dim3A_209 = arith.constant 3 : i32
      %broadcast_in_dim3A_210 = vector.broadcast %broadcast_in_dim3A_209 : i32 to vector<16xi32>
      %add3A_211 = arith.addi %mul3A_202, %broadcast_in_dim3A_210 : vector<16xi32>
      tpu.vector_store_idx %arg13[%add3A_211], %convert_element_type3A masked %lt3A : memref<4096xf32, #tpu.memory_space<vmem>>[vector<16xi32>], vector<16xf32>, vector<16xi1>
      %broadcast_in_dim3A_212 = arith.constant 4 : i32
      %broadcast_in_dim3A_213 = vector.broadcast %broadcast_in_dim3A_212 : i32 to vector<16xi32>
      %add3A_214 = arith.addi %mul3A_202, %broadcast_in_dim3A_213 : vector<16xi32>
      tpu.vector_store_idx %arg13[%add3A_214], %gather3A masked %lt3A : memref<4096xf32, #tpu.memory_space<vmem>>[vector<16xi32>], vector<16xf32>, vector<16xi1>
      %broadcast_in_dim3A_215 = arith.constant 5 : i32
      %broadcast_in_dim3A_216 = vector.broadcast %broadcast_in_dim3A_215 : i32 to vector<16xi32>
      %add3A_217 = arith.addi %mul3A_202, %broadcast_in_dim3A_216 : vector<16xi32>
      tpu.vector_store_idx %arg13[%add3A_217], %broadcast_in_dim3A_199 masked %lt3A : memref<4096xf32, #tpu.memory_space<vmem>>[vector<16xi32>], vector<16xf32>, vector<16xi1>
      %broadcast_in_dim3A_218 = arith.constant 6 : i32
      %broadcast_in_dim3A_219 = vector.broadcast %broadcast_in_dim3A_218 : i32 to vector<16xi32>
      %add3A_220 = arith.addi %mul3A_202, %broadcast_in_dim3A_219 : vector<16xi32>
      tpu.vector_store_idx %arg13[%add3A_220], %broadcast_in_dim3A_199 masked %lt3A : memref<4096xf32, #tpu.memory_space<vmem>>[vector<16xi32>], vector<16xf32>, vector<16xi1>
      %broadcast_in_dim3A_221 = arith.constant 7 : i32
      %broadcast_in_dim3A_222 = vector.broadcast %broadcast_in_dim3A_221 : i32 to vector<16xi32>
      %add3A_223 = arith.addi %mul3A_202, %broadcast_in_dim3A_222 : vector<16xi32>
      tpu.vector_store_idx %arg13[%add3A_223], %broadcast_in_dim3A_199 masked %lt3A : memref<4096xf32, #tpu.memory_space<vmem>>[vector<16xi32>], vector<16xf32>, vector<16xi1>
      %scan3A_224 = arith.constant 0 : i32
      scf.yield %scan3A_224 : i32
    }
    %scan3A_49 = arith.constant 32 : i32
    %mul3A_50 = arith.constant 512 : i32
    %mul3A_51 = arith.muli %add3A_18, %mul3A_50 : i32
    %mul3A_52 = arith.constant 8 : i32
    %mul3A_53 = arith.muli %mul3A_51, %mul3A_52 : i32
    "tpu.region"() ({
      %run_scoped3A = tpu.sem_alloc : memref<!tpu.dma_semaphore, #tpu.memory_space<semaphore_mem>>
      %dma_start3A_177 = tpu.memref_slice %arg6[%mul3A_53] : memref<262144xf32, #tpu.memory_space<hbm>> -> memref<4096xf32, #tpu.memory_space<hbm>>
      %dma_start3A_178 = tpu.memref_slice %arg6[%mul3A_53] : memref<262144xf32, #tpu.memory_space<hbm>> -> memref<4096xf32, #tpu.memory_space<hbm>>
      tpu.enqueue_dma source(%arg13 : memref<4096xf32, #tpu.memory_space<vmem>>) target(%dma_start3A_178 : memref<4096xf32, #tpu.memory_space<hbm>>) target_semaphore(%run_scoped3A : memref<!tpu.dma_semaphore, #tpu.memory_space<semaphore_mem>>)
      %dma_wait3A_179 = tpu.memref_slice %arg6[%mul3A_53] : memref<262144xf32, #tpu.memory_space<hbm>> -> memref<4096xf32, #tpu.memory_space<hbm>>
      %dma_wait3A_180 = tpu.memref_slice %arg6[%mul3A_53] : memref<262144xf32, #tpu.memory_space<hbm>> -> memref<4096xf32, #tpu.memory_space<hbm>>
      tpu.wait_dma2 semaphore(%run_scoped3A : memref<!tpu.dma_semaphore, #tpu.memory_space<semaphore_mem>>) src(%arg13 : memref<4096xf32, #tpu.memory_space<vmem>>) dst(%dma_wait3A_180 : memref<4096xf32, #tpu.memory_space<hbm>>)
      tpu.yield
    }) : () -> ()
    %broadcast_in_dim3A_54 = arith.constant 1 : i32
    %broadcast_in_dim3A_55 = vector.broadcast %broadcast_in_dim3A_54 : i32 to vector<16xi32>
    %scan3A_56 = arith.constant 0 : i32
    %scan3A_57 = arith.constant 0 : i32
    %scan3A_58 = arith.constant 32 : i32
    %scan3A_59 = arith.addi %scan3A_57, %scan3A_58 : i32
    %scan3A_60 = arith.constant 1 : i32
    %scan3A_61 = scf.for %scan3A_177 = %scan3A_57 to %scan3A_59 step %scan3A_60 iter_args(%scan3A_178 = %scan3A_56) -> (i32)  : i32 {
      %mul3A_179 = arith.constant 16 : i32
      %mul3A_180 = arith.muli %scan3A_177, %mul3A_179 : i32
      %get3A = arith.index_cast %mul3A_180 : i32 to index
      %get3A_181 = tpu.vector_load %arg10[%get3A] {strides = array<i32>} : memref<16400xi32, #tpu.memory_space<vmem>>, vector<16xi32>,
      %shift_right_logical3A_182 = arith.shrui %get3A_181, %broadcast_in_dim3A_55 : vector<16xi32>
      %mul3A_183 = arith.constant 16 : i32
      %mul3A_184 = arith.muli %scan3A_177, %mul3A_183 : i32
      %swap3A_185 = arith.index_cast %mul3A_184 : i32 to index
      %swap3A_186 = tpu.vector_load %arg10[%swap3A_185] {strides = array<i32>} : memref<16400xi32, #tpu.memory_space<vmem>>, vector<16xi32>,
      tpu.vector_store %arg10[%swap3A_185], %shift_right_logical3A_182 {strides = array<i32>} : memref<16400xi32, #tpu.memory_space<vmem>>, vector<16xi32>,
      %scan3A_187 = arith.constant 0 : i32
      scf.yield %scan3A_187 : i32
    }
    %scan3A_62 = arith.constant 32 : i32
    %add3A_63 = arith.constant 31 : i32
    %add3A_64 = arith.addi %min3A_33, %add3A_63 : i32
    %shift_right_logical3A = arith.constant 5 : i32
    %shift_right_logical3A_65 = arith.shrui %add3A_64, %shift_right_logical3A : i32
    %while3A = arith.constant 0 : i32
    %while3A_66 = arith.constant 0 : i32
    %while3A_67 = arith.subi %shift_right_logical3A_65, %while3A : i32
    %while3A_68 = arith.addi %while3A, %while3A_67 : i32
    %while3A_69 = arith.constant 1 : i32
    %while3A_70 = arith.divsi %while3A_67, %while3A_69 : i32
    %while3A_71 = arith.muli %while3A_70, %while3A_69 : i32
    %while3A_72 = arith.addi %while3A, %while3A_71 : i32
    %while3A_73 = arith.constant 1 : i32
    %while3A_74 = scf.for %while3A_177 = %while3A to %while3A_72 step %while3A_73 iter_args(%while3A_178 = %while3A_66) -> (i32)  : i32 {
      %mul3A_179 = arith.constant 32 : i32
      %mul3A_180 = arith.muli %while3A_177, %mul3A_179 : i32
      %dma_start3A_181 = tpu.memref_slice %arg10[%mul3A_180] : memref<16400xi32, #tpu.memory_space<vmem>> -> memref<32xi32, #tpu.memory_space<vmem>>
      %dma_start3A_182 = arith.constant 0 : i32
      %dma_start3A_183 = arith.constant 0 : i32
      %dma_start3A_184 = tpu.memref_slice %arg2[%dma_start3A_182, %dma_start3A_183] : memref<8200x1024xf32, #tpu.memory_space<hbm>> -> memref<8200x1024xf32, #tpu.memory_space<hbm>>
      tpu.enqueue_indirect_dma source(%dma_start3A_184 : memref<8200x1024xf32, #tpu.memory_space<hbm>>) target(%arg11 : memref<32x1024xf32, #tpu.memory_space<vmem>>) offsets(%dma_start3A_181 : memref<32xi32, #tpu.memory_space<vmem>>) semaphore(%arg15 : memref<!tpu.dma_semaphore, #tpu.memory_space<semaphore_mem>>)
      %dma_wait3A_185 = tpu.memref_slice %arg10[%mul3A_180] : memref<16400xi32, #tpu.memory_space<vmem>> -> memref<32xi32, #tpu.memory_space<vmem>>
      %dma_wait3A_186 = arith.constant 0 : i32
      %dma_wait3A_187 = arith.constant 0 : i32
      %dma_wait3A_188 = tpu.memref_slice %arg2[%dma_wait3A_186, %dma_wait3A_187] : memref<8200x1024xf32, #tpu.memory_space<hbm>> -> memref<8200x1024xf32, #tpu.memory_space<hbm>>
      tpu.wait_indirect_dma semaphore(%arg15 : memref<!tpu.dma_semaphore, #tpu.memory_space<semaphore_mem>>) src(%dma_wait3A_188 : memref<8200x1024xf32, #tpu.memory_space<hbm>>) dst(%arg11 : memref<32x1024xf32, #tpu.memory_space<vmem>>)
      %mul3A_189 = arith.constant 512 : i32
      %mul3A_190 = arith.muli %add3A_18, %mul3A_189 : i32
      %mul3A_191 = arith.constant 32 : i32
      %mul3A_192 = arith.muli %while3A_177, %mul3A_191 : i32
      %add3A_193 = arith.addi %mul3A_190, %mul3A_192 : i32
      "tpu.region"() ({
        %run_scoped3A = tpu.sem_alloc : memref<!tpu.dma_semaphore, #tpu.memory_space<semaphore_mem>>
        %dma_start3A_195 = arith.constant 0 : i32
        %dma_start3A_196 = tpu.memref_slice %arg5[%add3A_193, %dma_start3A_195] : memref<32768x1024xf32, #tpu.memory_space<hbm>> -> memref<32x1024xf32, #tpu.memory_space<hbm>>
        %dma_start3A_197 = arith.constant 0 : i32
        %dma_start3A_198 = tpu.memref_slice %arg5[%add3A_193, %dma_start3A_197] : memref<32768x1024xf32, #tpu.memory_space<hbm>> -> memref<32x1024xf32, #tpu.memory_space<hbm>>
        tpu.enqueue_dma source(%arg11 : memref<32x1024xf32, #tpu.memory_space<vmem>>) target(%dma_start3A_198 : memref<32x1024xf32, #tpu.memory_space<hbm>>) target_semaphore(%run_scoped3A : memref<!tpu.dma_semaphore, #tpu.memory_space<semaphore_mem>>)
        %dma_wait3A_199 = arith.constant 0 : i32
        %dma_wait3A_200 = tpu.memref_slice %arg5[%add3A_193, %dma_wait3A_199] : memref<32768x1024xf32, #tpu.memory_space<hbm>> -> memref<32x1024xf32, #tpu.memory_space<hbm>>
        %dma_wait3A_201 = arith.constant 0 : i32
        %dma_wait3A_202 = tpu.memref_slice %arg5[%add3A_193, %dma_wait3A_201] : memref<32768x1024xf32, #tpu.memory_space<hbm>> -> memref<32x1024xf32, #tpu.memory_space<hbm>>
        tpu.wait_dma2 semaphore(%run_scoped3A : memref<!tpu.dma_semaphore, #tpu.memory_space<semaphore_mem>>) src(%arg11 : memref<32x1024xf32, #tpu.memory_space<vmem>>) dst(%dma_wait3A_202 : memref<32x1024xf32, #tpu.memory_space<hbm>>)
        tpu.yield
      }) : () -> ()
      %while3A_194 = arith.constant 0 : i32
      scf.yield %while3A_194 : i32
    }
    %while3A_75 = arith.constant 1 : i32
    %while3A_76 = scf.for %while3A_177 = %while3A_72 to %while3A_68 step %while3A_75 iter_args(%while3A_178 = %while3A_74) -> (i32)  : i32 {
      %mul3A_179 = arith.constant 32 : i32
      %mul3A_180 = arith.muli %while3A_177, %mul3A_179 : i32
      %dma_start3A_181 = tpu.memref_slice %arg10[%mul3A_180] : memref<16400xi32, #tpu.memory_space<vmem>> -> memref<32xi32, #tpu.memory_space<vmem>>
      %dma_start3A_182 = arith.constant 0 : i32
      %dma_start3A_183 = arith.constant 0 : i32
      %dma_start3A_184 = tpu.memref_slice %arg2[%dma_start3A_182, %dma_start3A_183] : memref<8200x1024xf32, #tpu.memory_space<hbm>> -> memref<8200x1024xf32, #tpu.memory_space<hbm>>
      tpu.enqueue_indirect_dma source(%dma_start3A_184 : memref<8200x1024xf32, #tpu.memory_space<hbm>>) target(%arg11 : memref<32x1024xf32, #tpu.memory_space<vmem>>) offsets(%dma_start3A_181 : memref<32xi32, #tpu.memory_space<vmem>>) semaphore(%arg15 : memref<!tpu.dma_semaphore, #tpu.memory_space<semaphore_mem>>)
      %dma_wait3A_185 = tpu.memref_slice %arg10[%mul3A_180] : memref<16400xi32, #tpu.memory_space<vmem>> -> memref<32xi32, #tpu.memory_space<vmem>>
      %dma_wait3A_186 = arith.constant 0 : i32
      %dma_wait3A_187 = arith.constant 0 : i32
      %dma_wait3A_188 = tpu.memref_slice %arg2[%dma_wait3A_186, %dma_wait3A_187] : memref<8200x1024xf32, #tpu.memory_space<hbm>> -> memref<8200x1024xf32, #tpu.memory_space<hbm>>
      tpu.wait_indirect_dma semaphore(%arg15 : memref<!tpu.dma_semaphore, #tpu.memory_space<semaphore_mem>>) src(%dma_wait3A_188 : memref<8200x1024xf32, #tpu.memory_space<hbm>>) dst(%arg11 : memref<32x1024xf32, #tpu.memory_space<vmem>>)
      %mul3A_189 = arith.constant 512 : i32
      %mul3A_190 = arith.muli %add3A_18, %mul3A_189 : i32
      %mul3A_191 = arith.constant 32 : i32
      %mul3A_192 = arith.muli %while3A_177, %mul3A_191 : i32
      %add3A_193 = arith.addi %mul3A_190, %mul3A_192 : i32
      "tpu.region"() ({
        %run_scoped3A = tpu.sem_alloc : memref<!tpu.dma_semaphore, #tpu.memory_space<semaphore_mem>>
        %dma_start3A_195 = arith.constant 0 : i32
        %dma_start3A_196 = tpu.memref_slice %arg5[%add3A_193, %dma_start3A_195] : memref<32768x1024xf32, #tpu.memory_space<hbm>> -> memref<32x1024xf32, #tpu.memory_space<hbm>>
        %dma_start3A_197 = arith.constant 0 : i32
        %dma_start3A_198 = tpu.memref_slice %arg5[%add3A_193, %dma_start3A_197] : memref<32768x1024xf32, #tpu.memory_space<hbm>> -> memref<32x1024xf32, #tpu.memory_space<hbm>>
        tpu.enqueue_dma source(%arg11 : memref<32x1024xf32, #tpu.memory_space<vmem>>) target(%dma_start3A_198 : memref<32x1024xf32, #tpu.memory_space<hbm>>) target_semaphore(%run_scoped3A : memref<!tpu.dma_semaphore, #tpu.memory_space<semaphore_mem>>)
        %dma_wait3A_199 = arith.constant 0 : i32
        %dma_wait3A_200 = tpu.memref_slice %arg5[%add3A_193, %dma_wait3A_199] : memref<32768x1024xf32, #tpu.memory_space<hbm>> -> memref<32x1024xf32, #tpu.memory_space<hbm>>
        %dma_wait3A_201 = arith.constant 0 : i32
        %dma_wait3A_202 = tpu.memref_slice %arg5[%add3A_193, %dma_wait3A_201] : memref<32768x1024xf32, #tpu.memory_space<hbm>> -> memref<32x1024xf32, #tpu.memory_space<hbm>>
        tpu.wait_dma2 semaphore(%run_scoped3A : memref<!tpu.dma_semaphore, #tpu.memory_space<semaphore_mem>>) src(%arg11 : memref<32x1024xf32, #tpu.memory_space<vmem>>) dst(%dma_wait3A_202 : memref<32x1024xf32, #tpu.memory_space<hbm>>)
        tpu.yield
      }) : () -> ()
      %while3A_194 = arith.constant 0 : i32
      scf.yield %while3A_194 : i32
    }
    %while3A_77 = arith.constant 16 : i32
    %while3A_78 = arith.constant 0 : i32
    %while3A_79 = arith.subi %while3A_77, %shift_right_logical3A_65 : i32
    %while3A_80 = arith.addi %shift_right_logical3A_65, %while3A_79 : i32
    %while3A_81 = arith.constant 1 : i32
    %while3A_82 = arith.divsi %while3A_79, %while3A_81 : i32
    %while3A_83 = arith.muli %while3A_82, %while3A_81 : i32
    %while3A_84 = arith.addi %shift_right_logical3A_65, %while3A_83 : i32
    %while3A_85 = arith.constant 1 : i32
    %while3A_86 = scf.for %while3A_177 = %shift_right_logical3A_65 to %while3A_84 step %while3A_85 iter_args(%while3A_178 = %while3A_78) -> (i32)  : i32 {
      %mul3A_179 = arith.constant 512 : i32
      %mul3A_180 = arith.muli %add3A_18, %mul3A_179 : i32
      %mul3A_181 = arith.constant 32 : i32
      %mul3A_182 = arith.muli %while3A_177, %mul3A_181 : i32
      %add3A_183 = arith.addi %mul3A_180, %mul3A_182 : i32
      "tpu.region"() ({
        %run_scoped3A = tpu.sem_alloc : memref<!tpu.dma_semaphore, #tpu.memory_space<semaphore_mem>>
        %dma_start3A_185 = arith.constant 0 : i32
        %dma_start3A_186 = tpu.memref_slice %arg5[%add3A_183, %dma_start3A_185] : memref<32768x1024xf32, #tpu.memory_space<hbm>> -> memref<32x1024xf32, #tpu.memory_space<hbm>>
        %dma_start3A_187 = arith.constant 0 : i32
        %dma_start3A_188 = tpu.memref_slice %arg5[%add3A_183, %dma_start3A_187] : memref<32768x1024xf32, #tpu.memory_space<hbm>> -> memref<32x1024xf32, #tpu.memory_space<hbm>>
        tpu.enqueue_dma source(%arg12 : memref<32x1024xf32, #tpu.memory_space<vmem>>) target(%dma_start3A_188 : memref<32x1024xf32, #tpu.memory_space<hbm>>) target_semaphore(%run_scoped3A : memref<!tpu.dma_semaphore, #tpu.memory_space<semaphore_mem>>)
        %dma_wait3A_189 = arith.constant 0 : i32
        %dma_wait3A_190 = tpu.memref_slice %arg5[%add3A_183, %dma_wait3A_189] : memref<32768x1024xf32, #tpu.memory_space<hbm>> -> memref<32x1024xf32, #tpu.memory_space<hbm>>
        %dma_wait3A_191 = arith.constant 0 : i32
        %dma_wait3A_192 = tpu.memref_slice %arg5[%add3A_183, %dma_wait3A_191] : memref<32768x1024xf32, #tpu.memory_space<hbm>> -> memref<32x1024xf32, #tpu.memory_space<hbm>>
        tpu.wait_dma2 semaphore(%run_scoped3A : memref<!tpu.dma_semaphore, #tpu.memory_space<semaphore_mem>>) src(%arg12 : memref<32x1024xf32, #tpu.memory_space<vmem>>) dst(%dma_wait3A_192 : memref<32x1024xf32, #tpu.memory_space<hbm>>)
        tpu.yield
      }) : () -> ()
      %while3A_184 = arith.constant 0 : i32
      scf.yield %while3A_184 : i32
    }
    %while3A_87 = arith.constant 1 : i32
    %while3A_88 = scf.for %while3A_177 = %while3A_84 to %while3A_80 step %while3A_87 iter_args(%while3A_178 = %while3A_86) -> (i32)  : i32 {
      %mul3A_179 = arith.constant 512 : i32
      %mul3A_180 = arith.muli %add3A_18, %mul3A_179 : i32
      %mul3A_181 = arith.constant 32 : i32
      %mul3A_182 = arith.muli %while3A_177, %mul3A_181 : i32
      %add3A_183 = arith.addi %mul3A_180, %mul3A_182 : i32
      "tpu.region"() ({
        %run_scoped3A = tpu.sem_alloc : memref<!tpu.dma_semaphore, #tpu.memory_space<semaphore_mem>>
        %dma_start3A_185 = arith.constant 0 : i32
        %dma_start3A_186 = tpu.memref_slice %arg5[%add3A_183, %dma_start3A_185] : memref<32768x1024xf32, #tpu.memory_space<hbm>> -> memref<32x1024xf32, #tpu.memory_space<hbm>>
        %dma_start3A_187 = arith.constant 0 : i32
        %dma_start3A_188 = tpu.memref_slice %arg5[%add3A_183, %dma_start3A_187] : memref<32768x1024xf32, #tpu.memory_space<hbm>> -> memref<32x1024xf32, #tpu.memory_space<hbm>>
        tpu.enqueue_dma source(%arg12 : memref<32x1024xf32, #tpu.memory_space<vmem>>) target(%dma_start3A_188 : memref<32x1024xf32, #tpu.memory_space<hbm>>) target_semaphore(%run_scoped3A : memref<!tpu.dma_semaphore, #tpu.memory_space<semaphore_mem>>)
        %dma_wait3A_189 = arith.constant 0 : i32
        %dma_wait3A_190 = tpu.memref_slice %arg5[%add3A_183, %dma_wait3A_189] : memref<32768x1024xf32, #tpu.memory_space<hbm>> -> memref<32x1024xf32, #tpu.memory_space<hbm>>
        %dma_wait3A_191 = arith.constant 0 : i32
        %dma_wait3A_192 = tpu.memref_slice %arg5[%add3A_183, %dma_wait3A_191] : memref<32768x1024xf32, #tpu.memory_space<hbm>> -> memref<32x1024xf32, #tpu.memory_space<hbm>>
        tpu.wait_dma2 semaphore(%run_scoped3A : memref<!tpu.dma_semaphore, #tpu.memory_space<semaphore_mem>>) src(%arg12 : memref<32x1024xf32, #tpu.memory_space<vmem>>) dst(%dma_wait3A_192 : memref<32x1024xf32, #tpu.memory_space<hbm>>)
        tpu.yield
      }) : () -> ()
      %while3A_184 = arith.constant 0 : i32
      scf.yield %while3A_184 : i32
    }
    %broadcast_in_dim3A_89 = vector.broadcast %scan3A_31 : i32 to vector<16xi32>
    %swap3A = arith.constant 0 : index
    %swap3A_90 = tpu.vector_load %arg14[%swap3A] {strides = array<i32>} : memref<16xi32, #tpu.memory_space<vmem>>, vector<16xi32>,
    tpu.vector_store %arg14[%swap3A], %broadcast_in_dim3A_89 {strides = array<i32>} : memref<16xi32, #tpu.memory_space<vmem>>, vector<16xi32>,
    %mul3A_91 = arith.constant 16 : i32
    %mul3A_92 = arith.muli %add3A_18, %mul3A_91 : i32
    "tpu.region"() ({
      %run_scoped3A = tpu.sem_alloc : memref<!tpu.dma_semaphore, #tpu.memory_space<semaphore_mem>>
      %dma_start3A_177 = tpu.memref_slice %arg7[%mul3A_92] : memref<1024xi32, #tpu.memory_space<hbm>> -> memref<16xi32, #tpu.memory_space<hbm>>
      %dma_start3A_178 = tpu.memref_slice %arg7[%mul3A_92] : memref<1024xi32, #tpu.memory_space<hbm>> -> memref<16xi32, #tpu.memory_space<hbm>>
      tpu.enqueue_dma source(%arg14 : memref<16xi32, #tpu.memory_space<vmem>>) target(%dma_start3A_178 : memref<16xi32, #tpu.memory_space<hbm>>) target_semaphore(%run_scoped3A : memref<!tpu.dma_semaphore, #tpu.memory_space<semaphore_mem>>)
      %dma_wait3A_179 = tpu.memref_slice %arg7[%mul3A_92] : memref<1024xi32, #tpu.memory_space<hbm>> -> memref<16xi32, #tpu.memory_space<hbm>>
      %dma_wait3A_180 = tpu.memref_slice %arg7[%mul3A_92] : memref<1024xi32, #tpu.memory_space<hbm>> -> memref<16xi32, #tpu.memory_space<hbm>>
      tpu.wait_dma2 semaphore(%run_scoped3A : memref<!tpu.dma_semaphore, #tpu.memory_space<semaphore_mem>>) src(%arg14 : memref<16xi32, #tpu.memory_space<vmem>>) dst(%dma_wait3A_180 : memref<16xi32, #tpu.memory_space<hbm>>)
      tpu.yield
    }) : () -> ()
    %mul3A_93 = arith.constant 2 : i32
    %mul3A_94 = arith.muli %add3A, %mul3A_93 : i32
    %add3A_95 = arith.constant 1 : i32
    %add3A_96 = arith.addi %mul3A_94, %add3A_95 : i32
    %scan3A_97 = arith.constant 0 : i32
    %scan3A_98 = arith.constant 0 : i32
    %scan3A_99 = arith.constant 36 : i32
    %scan3A_100 = arith.addi %scan3A_98, %scan3A_99 : i32
    %scan3A_101 = arith.constant 1 : i32
    %scan3A_102 = scf.for %scan3A_177 = %scan3A_98 to %scan3A_100 step %scan3A_101 iter_args(%scan3A_178 = %scan3A_97) -> (i32)  : i32 {
      %broadcast_in_dim3A_179 = arith.constant 16384 : i32
      %broadcast_in_dim3A_180 = vector.broadcast %broadcast_in_dim3A_179 : i32 to vector<16xi32>
      %mul3A_181 = arith.constant 16 : i32
      %mul3A_182 = arith.muli %scan3A_177, %mul3A_181 : i32
      %swap3A_183 = arith.index_cast %mul3A_182 : i32 to index
      %swap3A_184 = tpu.vector_load %arg10[%swap3A_183] {strides = array<i32>} : memref<16400xi32, #tpu.memory_space<vmem>>, vector<16xi32>,
      tpu.vector_store %arg10[%swap3A_183], %broadcast_in_dim3A_180 {strides = array<i32>} : memref<16400xi32, #tpu.memory_space<vmem>>, vector<16xi32>,
      %scan3A_185 = arith.constant 0 : i32
      scf.yield %scan3A_185 : i32
    }
    %scan3A_103 = arith.constant 36 : i32
    %broadcast_in_dim3A_104 = vector.broadcast %add3A_96 : i32 to vector<16xi32>
    %scan3A_105 = arith.constant 0 : i32
    %scan3A_106 = arith.constant 0 : i32
    %scan3A_107 = arith.constant 1024 : i32
    %scan3A_108 = arith.addi %scan3A_106, %scan3A_107 : i32
    %scan3A_109 = arith.constant 1 : i32
    %scan3A_110 = scf.for %scan3A_177 = %scan3A_106 to %scan3A_108 step %scan3A_109 iter_args(%scan3A_178 = %scan3A_105) -> (i32)  : i32 {
      %mul3A_179 = arith.constant 16 : i32
      %mul3A_180 = arith.muli %scan3A_177, %mul3A_179 : i32
      %get3A = arith.index_cast %mul3A_180 : i32 to index
      %get3A_181 = tpu.vector_load %arg8[%get3A] {strides = array<i32>} : memref<16384xi32, #tpu.memory_space<vmem>>, vector<16xi32>,
      %eq3A = arith.cmpi eq, %get3A_181, %broadcast_in_dim3A_104 : vector<16xi32>
      %mul3A_182 = arith.constant 16 : i32
      %mul3A_183 = arith.muli %scan3A_177, %mul3A_182 : i32
      %broadcast_in_dim3A_184 = vector.broadcast %mul3A_183 : i32 to vector<16xi32>
      %add3A_185 = arith.addi %broadcast_in_dim3A_184, %iota3A : vector<16xi32>
      %convert_element_type3A_186 = arith.extui %eq3A : vector<16xi1> to vector<16xi32>
      %broadcast_in_dim3A_187 = arith.constant true
      %broadcast_in_dim3A_188 = vector.broadcast %broadcast_in_dim3A_187 : i1 to vector<16xi1>
      %masked_cumsum3A = tpu.scan <sum>, %convert_element_type3A_186 masked %broadcast_in_dim3A_188 : vector<16xi32>, vector<16xi1> -> vector<16xi32>
      %sub3A = arith.constant 1 : i32
      %sub3A_189 = arith.subi %scan3A_178, %sub3A : i32
      %broadcast_in_dim3A_190 = vector.broadcast %sub3A_189 : i32 to vector<16xi32>
      %add3A_191 = arith.addi %broadcast_in_dim3A_190, %masked_cumsum3A : vector<16xi32>
      tpu.vector_store_idx %arg10[%add3A_191], %add3A_185 masked %eq3A : memref<16400xi32, #tpu.memory_space<vmem>>[vector<16xi32>], vector<16xi32>, vector<16xi1>
      %reduce_sum3A = arith.constant true
      %reduce_sum3A_192 = vector.broadcast %reduce_sum3A : i1 to vector<16xi1>
      %reduce_sum3A_193 = tpu.scan <sum>, %convert_element_type3A_186 masked %reduce_sum3A_192 : vector<16xi32>, vector<16xi1> -> vector<16xi32>
      %reduce_sum3A_194 = vector.extract %reduce_sum3A_193[15] : i32 from vector<16xi32>
      %add3A_195 = arith.addi %scan3A_178, %reduce_sum3A_194 : i32
      scf.yield %add3A_195 : i32
    }
    %scan3A_111 = arith.constant 1024 : i32
    %min3A_112 = arith.constant 512 : i32
    %min3A_113 = arith.minsi %scan3A_110, %min3A_112 : i32
    %scan3A_114 = arith.constant 0 : i32
    %scan3A_115 = arith.constant 0 : i32
    %scan3A_116 = arith.constant 256 : i32
    %scan3A_117 = arith.addi %scan3A_115, %scan3A_116 : i32
    %scan3A_118 = arith.constant 1 : i32
    %scan3A_119 = scf.for %scan3A_177 = %scan3A_115 to %scan3A_117 step %scan3A_118 iter_args(%scan3A_178 = %scan3A_114) -> (i32)  : i32 {
      %broadcast_in_dim3A_179 = arith.constant -1.000000e+00 : f32
      %broadcast_in_dim3A_180 = vector.broadcast %broadcast_in_dim3A_179 : f32 to vector<16xf32>
      %mul3A_181 = arith.constant 16 : i32
      %mul3A_182 = arith.muli %scan3A_177, %mul3A_181 : i32
      %swap3A_183 = arith.index_cast %mul3A_182 : i32 to index
      %swap3A_184 = tpu.vector_load %arg13[%swap3A_183] {strides = array<i32>} : memref<4096xf32, #tpu.memory_space<vmem>>, vector<16xf32>,
      tpu.vector_store %arg13[%swap3A_183], %broadcast_in_dim3A_180 {strides = array<i32>} : memref<4096xf32, #tpu.memory_space<vmem>>, vector<16xf32>,
      %scan3A_185 = arith.constant 0 : i32
      scf.yield %scan3A_185 : i32
    }
    %scan3A_120 = arith.constant 256 : i32
    %broadcast_in_dim3A_121 = vector.broadcast %min3A_113 : i32 to vector<16xi32>
    %broadcast_in_dim3A_122 = vector.broadcast %add3A_96 : i32 to vector<16xi32>
    %convert_element_type3A_123 = arith.sitofp %broadcast_in_dim3A_122 : vector<16xi32> to vector<16xf32>
    %scan3A_124 = arith.constant 0 : i32
    %scan3A_125 = arith.constant 0 : i32
    %scan3A_126 = arith.constant 32 : i32
    %scan3A_127 = arith.addi %scan3A_125, %scan3A_126 : i32
    %scan3A_128 = arith.constant 1 : i32
    %scan3A_129 = scf.for %scan3A_177 = %scan3A_125 to %scan3A_127 step %scan3A_128 iter_args(%scan3A_178 = %scan3A_124) -> (i32)  : i32 {
      %mul3A_179 = arith.constant 16 : i32
      %mul3A_180 = arith.muli %scan3A_177, %mul3A_179 : i32
      %broadcast_in_dim3A_181 = vector.broadcast %mul3A_180 : i32 to vector<16xi32>
      %add3A_182 = arith.addi %broadcast_in_dim3A_181, %iota3A : vector<16xi32>
      %lt3A = arith.cmpi slt, %add3A_182, %broadcast_in_dim3A_121 : vector<16xi32>
      %mul3A_183 = arith.constant 16 : i32
      %mul3A_184 = arith.muli %scan3A_177, %mul3A_183 : i32
      %get3A = arith.index_cast %mul3A_184 : i32 to index
      %get3A_185 = tpu.vector_load %arg10[%get3A] {strides = array<i32>} : memref<16400xi32, #tpu.memory_space<vmem>>, vector<16xi32>,
      %broadcast_in_dim3A_186 = arith.constant 12 : i32
      %broadcast_in_dim3A_187 = vector.broadcast %broadcast_in_dim3A_186 : i32 to vector<16xi32>
      %broadcast_in_dim3A_188 = arith.constant 1 : i32
      %broadcast_in_dim3A_189 = vector.broadcast %broadcast_in_dim3A_188 : i32 to vector<16xi32>
      %shift_right_logical3A_190 = arith.shrui %get3A_185, %broadcast_in_dim3A_187 : vector<16xi32>
      %shift_right_logical3A_191 = arith.shrui %get3A_185, %broadcast_in_dim3A_189 : vector<16xi32>
      %broadcast_in_dim3A_192 = arith.constant 2047 : i32
      %broadcast_in_dim3A_193 = vector.broadcast %broadcast_in_dim3A_192 : i32 to vector<16xi32>
      %and3A = arith.andi %shift_right_logical3A_191, %broadcast_in_dim3A_193 : vector<16xi32>
      %and3A_194 = arith.andi %get3A_185, %broadcast_in_dim3A_189 : vector<16xi32>
      %broadcast_in_dim3A_195 = arith.constant 16383 : i32
      %broadcast_in_dim3A_196 = vector.broadcast %broadcast_in_dim3A_195 : i32 to vector<16xi32>
      %and3A_197 = arith.andi %get3A_185, %broadcast_in_dim3A_196 : vector<16xi32>
      %gather3A = tpu.vector_load_idx %arg9[%and3A_197] : memref<16384xf32, #tpu.memory_space<vmem>>[vector<16xi32>], vector<16xf32>,
      %broadcast_in_dim3A_198 = arith.constant 0.000000e+00 : f32
      %broadcast_in_dim3A_199 = vector.broadcast %broadcast_in_dim3A_198 : f32 to vector<16xf32>
      %broadcast_in_dim3A_200 = arith.constant 8 : i32
      %broadcast_in_dim3A_201 = vector.broadcast %broadcast_in_dim3A_200 : i32 to vector<16xi32>
      %mul3A_202 = arith.muli %add3A_182, %broadcast_in_dim3A_201 : vector<16xi32>
      %convert_element_type3A_203 = arith.sitofp %shift_right_logical3A_190 : vector<16xi32> to vector<16xf32>
      tpu.vector_store_idx %arg13[%mul3A_202], %convert_element_type3A_203 masked %lt3A : memref<4096xf32, #tpu.memory_space<vmem>>[vector<16xi32>], vector<16xf32>, vector<16xi1>
      %add3A_204 = arith.addi %mul3A_202, %broadcast_in_dim3A_189 : vector<16xi32>
      %convert_element_type3A_205 = arith.sitofp %and3A : vector<16xi32> to vector<16xf32>
      tpu.vector_store_idx %arg13[%add3A_204], %convert_element_type3A_205 masked %lt3A : memref<4096xf32, #tpu.memory_space<vmem>>[vector<16xi32>], vector<16xf32>, vector<16xi1>
      %add3A_206 = arith.addi %mul3A_202, %broadcast_in_dim3A_189 : vector<16xi32>
      %add3A_207 = arith.addi %add3A_206, %broadcast_in_dim3A_189 : vector<16xi32>
      %convert_element_type3A_208 = arith.sitofp %and3A_194 : vector<16xi32> to vector<16xf32>
      tpu.vector_store_idx %arg13[%add3A_207], %convert_element_type3A_208 masked %lt3A : memref<4096xf32, #tpu.memory_space<vmem>>[vector<16xi32>], vector<16xf32>, vector<16xi1>
      %broadcast_in_dim3A_209 = arith.constant 3 : i32
      %broadcast_in_dim3A_210 = vector.broadcast %broadcast_in_dim3A_209 : i32 to vector<16xi32>
      %add3A_211 = arith.addi %mul3A_202, %broadcast_in_dim3A_210 : vector<16xi32>
      tpu.vector_store_idx %arg13[%add3A_211], %convert_element_type3A_123 masked %lt3A : memref<4096xf32, #tpu.memory_space<vmem>>[vector<16xi32>], vector<16xf32>, vector<16xi1>
      %broadcast_in_dim3A_212 = arith.constant 4 : i32
      %broadcast_in_dim3A_213 = vector.broadcast %broadcast_in_dim3A_212 : i32 to vector<16xi32>
      %add3A_214 = arith.addi %mul3A_202, %broadcast_in_dim3A_213 : vector<16xi32>
      tpu.vector_store_idx %arg13[%add3A_214], %gather3A masked %lt3A : memref<4096xf32, #tpu.memory_space<vmem>>[vector<16xi32>], vector<16xf32>, vector<16xi1>
      %broadcast_in_dim3A_215 = arith.constant 5 : i32
      %broadcast_in_dim3A_216 = vector.broadcast %broadcast_in_dim3A_215 : i32 to vector<16xi32>
      %add3A_217 = arith.addi %mul3A_202, %broadcast_in_dim3A_216 : vector<16xi32>
      tpu.vector_store_idx %arg13[%add3A_217], %broadcast_in_dim3A_199 masked %lt3A : memref<4096xf32, #tpu.memory_space<vmem>>[vector<16xi32>], vector<16xf32>, vector<16xi1>
      %broadcast_in_dim3A_218 = arith.constant 6 : i32
      %broadcast_in_dim3A_219 = vector.broadcast %broadcast_in_dim3A_218 : i32 to vector<16xi32>
      %add3A_220 = arith.addi %mul3A_202, %broadcast_in_dim3A_219 : vector<16xi32>
      tpu.vector_store_idx %arg13[%add3A_220], %broadcast_in_dim3A_199 masked %lt3A : memref<4096xf32, #tpu.memory_space<vmem>>[vector<16xi32>], vector<16xf32>, vector<16xi1>
      %broadcast_in_dim3A_221 = arith.constant 7 : i32
      %broadcast_in_dim3A_222 = vector.broadcast %broadcast_in_dim3A_221 : i32 to vector<16xi32>
      %add3A_223 = arith.addi %mul3A_202, %broadcast_in_dim3A_222 : vector<16xi32>
      tpu.vector_store_idx %arg13[%add3A_223], %broadcast_in_dim3A_199 masked %lt3A : memref<4096xf32, #tpu.memory_space<vmem>>[vector<16xi32>], vector<16xf32>, vector<16xi1>
      %scan3A_224 = arith.constant 0 : i32
      scf.yield %scan3A_224 : i32
    }
    %scan3A_130 = arith.constant 32 : i32
    %mul3A_131 = arith.constant 512 : i32
    %mul3A_132 = arith.muli %add3A_96, %mul3A_131 : i32
    %mul3A_133 = arith.constant 8 : i32
    %mul3A_134 = arith.muli %mul3A_132, %mul3A_133 : i32
    "tpu.region"() ({
      %run_scoped3A = tpu.sem_alloc : memref<!tpu.dma_semaphore, #tpu.memory_space<semaphore_mem>>
      %dma_start3A_177 = tpu.memref_slice %arg6[%mul3A_134] : memref<262144xf32, #tpu.memory_space<hbm>> -> memref<4096xf32, #tpu.memory_space<hbm>>
      %dma_start3A_178 = tpu.memref_slice %arg6[%mul3A_134] : memref<262144xf32, #tpu.memory_space<hbm>> -> memref<4096xf32, #tpu.memory_space<hbm>>
      tpu.enqueue_dma source(%arg13 : memref<4096xf32, #tpu.memory_space<vmem>>) target(%dma_start3A_178 : memref<4096xf32, #tpu.memory_space<hbm>>) target_semaphore(%run_scoped3A : memref<!tpu.dma_semaphore, #tpu.memory_space<semaphore_mem>>)
      %dma_wait3A_179 = tpu.memref_slice %arg6[%mul3A_134] : memref<262144xf32, #tpu.memory_space<hbm>> -> memref<4096xf32, #tpu.memory_space<hbm>>
      %dma_wait3A_180 = tpu.memref_slice %arg6[%mul3A_134] : memref<262144xf32, #tpu.memory_space<hbm>> -> memref<4096xf32, #tpu.memory_space<hbm>>
      tpu.wait_dma2 semaphore(%run_scoped3A : memref<!tpu.dma_semaphore, #tpu.memory_space<semaphore_mem>>) src(%arg13 : memref<4096xf32, #tpu.memory_space<vmem>>) dst(%dma_wait3A_180 : memref<4096xf32, #tpu.memory_space<hbm>>)
      tpu.yield
    }) : () -> ()
    %broadcast_in_dim3A_135 = arith.constant 1 : i32
    %broadcast_in_dim3A_136 = vector.broadcast %broadcast_in_dim3A_135 : i32 to vector<16xi32>
    %scan3A_137 = arith.constant 0 : i32
    %scan3A_138 = arith.constant 0 : i32
    %scan3A_139 = arith.constant 32 : i32
    %scan3A_140 = arith.addi %scan3A_138, %scan3A_139 : i32
    %scan3A_141 = arith.constant 1 : i32
    %scan3A_142 = scf.for %scan3A_177 = %scan3A_138 to %scan3A_140 step %scan3A_141 iter_args(%scan3A_178 = %scan3A_137) -> (i32)  : i32 {
      %mul3A_179 = arith.constant 16 : i32
      %mul3A_180 = arith.muli %scan3A_177, %mul3A_179 : i32
      %get3A = arith.index_cast %mul3A_180 : i32 to index
      %get3A_181 = tpu.vector_load %arg10[%get3A] {strides = array<i32>} : memref<16400xi32, #tpu.memory_space<vmem>>, vector<16xi32>,
      %shift_right_logical3A_182 = arith.shrui %get3A_181, %broadcast_in_dim3A_136 : vector<16xi32>
      %mul3A_183 = arith.constant 16 : i32
      %mul3A_184 = arith.muli %scan3A_177, %mul3A_183 : i32
      %swap3A_185 = arith.index_cast %mul3A_184 : i32 to index
      %swap3A_186 = tpu.vector_load %arg10[%swap3A_185] {strides = array<i32>} : memref<16400xi32, #tpu.memory_space<vmem>>, vector<16xi32>,
      tpu.vector_store %arg10[%swap3A_185], %shift_right_logical3A_182 {strides = array<i32>} : memref<16400xi32, #tpu.memory_space<vmem>>, vector<16xi32>,
      %scan3A_187 = arith.constant 0 : i32
      scf.yield %scan3A_187 : i32
    }
    %scan3A_143 = arith.constant 32 : i32
    %add3A_144 = arith.constant 31 : i32
    %add3A_145 = arith.addi %min3A_113, %add3A_144 : i32
    %shift_right_logical3A_146 = arith.constant 5 : i32
    %shift_right_logical3A_147 = arith.shrui %add3A_145, %shift_right_logical3A_146 : i32
    %while3A_148 = arith.constant 0 : i32
    %while3A_149 = arith.constant 0 : i32
    %while3A_150 = arith.subi %shift_right_logical3A_147, %while3A_148 : i32
    %while3A_151 = arith.addi %while3A_148, %while3A_150 : i32
    %while3A_152 = arith.constant 1 : i32
    %while3A_153 = arith.divsi %while3A_150, %while3A_152 : i32
    %while3A_154 = arith.muli %while3A_153, %while3A_152 : i32
    %while3A_155 = arith.addi %while3A_148, %while3A_154 : i32
    %while3A_156 = arith.constant 1 : i32
    %while3A_157 = scf.for %while3A_177 = %while3A_148 to %while3A_155 step %while3A_156 iter_args(%while3A_178 = %while3A_149) -> (i32)  : i32 {
      %mul3A_179 = arith.constant 32 : i32
      %mul3A_180 = arith.muli %while3A_177, %mul3A_179 : i32
      %dma_start3A_181 = tpu.memref_slice %arg10[%mul3A_180] : memref<16400xi32, #tpu.memory_space<vmem>> -> memref<32xi32, #tpu.memory_space<vmem>>
      %dma_start3A_182 = arith.constant 0 : i32
      %dma_start3A_183 = arith.constant 0 : i32
      %dma_start3A_184 = tpu.memref_slice %arg2[%dma_start3A_182, %dma_start3A_183] : memref<8200x1024xf32, #tpu.memory_space<hbm>> -> memref<8200x1024xf32, #tpu.memory_space<hbm>>
      tpu.enqueue_indirect_dma source(%dma_start3A_184 : memref<8200x1024xf32, #tpu.memory_space<hbm>>) target(%arg11 : memref<32x1024xf32, #tpu.memory_space<vmem>>) offsets(%dma_start3A_181 : memref<32xi32, #tpu.memory_space<vmem>>) semaphore(%arg15 : memref<!tpu.dma_semaphore, #tpu.memory_space<semaphore_mem>>)
      %dma_wait3A_185 = tpu.memref_slice %arg10[%mul3A_180] : memref<16400xi32, #tpu.memory_space<vmem>> -> memref<32xi32, #tpu.memory_space<vmem>>
      %dma_wait3A_186 = arith.constant 0 : i32
      %dma_wait3A_187 = arith.constant 0 : i32
      %dma_wait3A_188 = tpu.memref_slice %arg2[%dma_wait3A_186, %dma_wait3A_187] : memref<8200x1024xf32, #tpu.memory_space<hbm>> -> memref<8200x1024xf32, #tpu.memory_space<hbm>>
      tpu.wait_indirect_dma semaphore(%arg15 : memref<!tpu.dma_semaphore, #tpu.memory_space<semaphore_mem>>) src(%dma_wait3A_188 : memref<8200x1024xf32, #tpu.memory_space<hbm>>) dst(%arg11 : memref<32x1024xf32, #tpu.memory_space<vmem>>)
      %mul3A_189 = arith.constant 512 : i32
      %mul3A_190 = arith.muli %add3A_96, %mul3A_189 : i32
      %mul3A_191 = arith.constant 32 : i32
      %mul3A_192 = arith.muli %while3A_177, %mul3A_191 : i32
      %add3A_193 = arith.addi %mul3A_190, %mul3A_192 : i32
      "tpu.region"() ({
        %run_scoped3A = tpu.sem_alloc : memref<!tpu.dma_semaphore, #tpu.memory_space<semaphore_mem>>
        %dma_start3A_195 = arith.constant 0 : i32
        %dma_start3A_196 = tpu.memref_slice %arg5[%add3A_193, %dma_start3A_195] : memref<32768x1024xf32, #tpu.memory_space<hbm>> -> memref<32x1024xf32, #tpu.memory_space<hbm>>
        %dma_start3A_197 = arith.constant 0 : i32
        %dma_start3A_198 = tpu.memref_slice %arg5[%add3A_193, %dma_start3A_197] : memref<32768x1024xf32, #tpu.memory_space<hbm>> -> memref<32x1024xf32, #tpu.memory_space<hbm>>
        tpu.enqueue_dma source(%arg11 : memref<32x1024xf32, #tpu.memory_space<vmem>>) target(%dma_start3A_198 : memref<32x1024xf32, #tpu.memory_space<hbm>>) target_semaphore(%run_scoped3A : memref<!tpu.dma_semaphore, #tpu.memory_space<semaphore_mem>>)
        %dma_wait3A_199 = arith.constant 0 : i32
        %dma_wait3A_200 = tpu.memref_slice %arg5[%add3A_193, %dma_wait3A_199] : memref<32768x1024xf32, #tpu.memory_space<hbm>> -> memref<32x1024xf32, #tpu.memory_space<hbm>>
        %dma_wait3A_201 = arith.constant 0 : i32
        %dma_wait3A_202 = tpu.memref_slice %arg5[%add3A_193, %dma_wait3A_201] : memref<32768x1024xf32, #tpu.memory_space<hbm>> -> memref<32x1024xf32, #tpu.memory_space<hbm>>
        tpu.wait_dma2 semaphore(%run_scoped3A : memref<!tpu.dma_semaphore, #tpu.memory_space<semaphore_mem>>) src(%arg11 : memref<32x1024xf32, #tpu.memory_space<vmem>>) dst(%dma_wait3A_202 : memref<32x1024xf32, #tpu.memory_space<hbm>>)
        tpu.yield
      }) : () -> ()
      %while3A_194 = arith.constant 0 : i32
      scf.yield %while3A_194 : i32
    }
    %while3A_158 = arith.constant 1 : i32
    %while3A_159 = scf.for %while3A_177 = %while3A_155 to %while3A_151 step %while3A_158 iter_args(%while3A_178 = %while3A_157) -> (i32)  : i32 {
      %mul3A_179 = arith.constant 32 : i32
      %mul3A_180 = arith.muli %while3A_177, %mul3A_179 : i32
      %dma_start3A_181 = tpu.memref_slice %arg10[%mul3A_180] : memref<16400xi32, #tpu.memory_space<vmem>> -> memref<32xi32, #tpu.memory_space<vmem>>
      %dma_start3A_182 = arith.constant 0 : i32
      %dma_start3A_183 = arith.constant 0 : i32
      %dma_start3A_184 = tpu.memref_slice %arg2[%dma_start3A_182, %dma_start3A_183] : memref<8200x1024xf32, #tpu.memory_space<hbm>> -> memref<8200x1024xf32, #tpu.memory_space<hbm>>
      tpu.enqueue_indirect_dma source(%dma_start3A_184 : memref<8200x1024xf32, #tpu.memory_space<hbm>>) target(%arg11 : memref<32x1024xf32, #tpu.memory_space<vmem>>) offsets(%dma_start3A_181 : memref<32xi32, #tpu.memory_space<vmem>>) semaphore(%arg15 : memref<!tpu.dma_semaphore, #tpu.memory_space<semaphore_mem>>)
      %dma_wait3A_185 = tpu.memref_slice %arg10[%mul3A_180] : memref<16400xi32, #tpu.memory_space<vmem>> -> memref<32xi32, #tpu.memory_space<vmem>>
      %dma_wait3A_186 = arith.constant 0 : i32
      %dma_wait3A_187 = arith.constant 0 : i32
      %dma_wait3A_188 = tpu.memref_slice %arg2[%dma_wait3A_186, %dma_wait3A_187] : memref<8200x1024xf32, #tpu.memory_space<hbm>> -> memref<8200x1024xf32, #tpu.memory_space<hbm>>
      tpu.wait_indirect_dma semaphore(%arg15 : memref<!tpu.dma_semaphore, #tpu.memory_space<semaphore_mem>>) src(%dma_wait3A_188 : memref<8200x1024xf32, #tpu.memory_space<hbm>>) dst(%arg11 : memref<32x1024xf32, #tpu.memory_space<vmem>>)
      %mul3A_189 = arith.constant 512 : i32
      %mul3A_190 = arith.muli %add3A_96, %mul3A_189 : i32
      %mul3A_191 = arith.constant 32 : i32
      %mul3A_192 = arith.muli %while3A_177, %mul3A_191 : i32
      %add3A_193 = arith.addi %mul3A_190, %mul3A_192 : i32
      "tpu.region"() ({
        %run_scoped3A = tpu.sem_alloc : memref<!tpu.dma_semaphore, #tpu.memory_space<semaphore_mem>>
        %dma_start3A_195 = arith.constant 0 : i32
        %dma_start3A_196 = tpu.memref_slice %arg5[%add3A_193, %dma_start3A_195] : memref<32768x1024xf32, #tpu.memory_space<hbm>> -> memref<32x1024xf32, #tpu.memory_space<hbm>>
        %dma_start3A_197 = arith.constant 0 : i32
        %dma_start3A_198 = tpu.memref_slice %arg5[%add3A_193, %dma_start3A_197] : memref<32768x1024xf32, #tpu.memory_space<hbm>> -> memref<32x1024xf32, #tpu.memory_space<hbm>>
        tpu.enqueue_dma source(%arg11 : memref<32x1024xf32, #tpu.memory_space<vmem>>) target(%dma_start3A_198 : memref<32x1024xf32, #tpu.memory_space<hbm>>) target_semaphore(%run_scoped3A : memref<!tpu.dma_semaphore, #tpu.memory_space<semaphore_mem>>)
        %dma_wait3A_199 = arith.constant 0 : i32
        %dma_wait3A_200 = tpu.memref_slice %arg5[%add3A_193, %dma_wait3A_199] : memref<32768x1024xf32, #tpu.memory_space<hbm>> -> memref<32x1024xf32, #tpu.memory_space<hbm>>
        %dma_wait3A_201 = arith.constant 0 : i32
        %dma_wait3A_202 = tpu.memref_slice %arg5[%add3A_193, %dma_wait3A_201] : memref<32768x1024xf32, #tpu.memory_space<hbm>> -> memref<32x1024xf32, #tpu.memory_space<hbm>>
        tpu.wait_dma2 semaphore(%run_scoped3A : memref<!tpu.dma_semaphore, #tpu.memory_space<semaphore_mem>>) src(%arg11 : memref<32x1024xf32, #tpu.memory_space<vmem>>) dst(%dma_wait3A_202 : memref<32x1024xf32, #tpu.memory_space<hbm>>)
        tpu.yield
      }) : () -> ()
      %while3A_194 = arith.constant 0 : i32
      scf.yield %while3A_194 : i32
    }
    %while3A_160 = arith.constant 16 : i32
    %while3A_161 = arith.constant 0 : i32
    %while3A_162 = arith.subi %while3A_160, %shift_right_logical3A_147 : i32
    %while3A_163 = arith.addi %shift_right_logical3A_147, %while3A_162 : i32
    %while3A_164 = arith.constant 1 : i32
    %while3A_165 = arith.divsi %while3A_162, %while3A_164 : i32
    %while3A_166 = arith.muli %while3A_165, %while3A_164 : i32
    %while3A_167 = arith.addi %shift_right_logical3A_147, %while3A_166 : i32
    %while3A_168 = arith.constant 1 : i32
    %while3A_169 = scf.for %while3A_177 = %shift_right_logical3A_147 to %while3A_167 step %while3A_168 iter_args(%while3A_178 = %while3A_161) -> (i32)  : i32 {
      %mul3A_179 = arith.constant 512 : i32
      %mul3A_180 = arith.muli %add3A_96, %mul3A_179 : i32
      %mul3A_181 = arith.constant 32 : i32
      %mul3A_182 = arith.muli %while3A_177, %mul3A_181 : i32
      %add3A_183 = arith.addi %mul3A_180, %mul3A_182 : i32
      "tpu.region"() ({
        %run_scoped3A = tpu.sem_alloc : memref<!tpu.dma_semaphore, #tpu.memory_space<semaphore_mem>>
        %dma_start3A_185 = arith.constant 0 : i32
        %dma_start3A_186 = tpu.memref_slice %arg5[%add3A_183, %dma_start3A_185] : memref<32768x1024xf32, #tpu.memory_space<hbm>> -> memref<32x1024xf32, #tpu.memory_space<hbm>>
        %dma_start3A_187 = arith.constant 0 : i32
        %dma_start3A_188 = tpu.memref_slice %arg5[%add3A_183, %dma_start3A_187] : memref<32768x1024xf32, #tpu.memory_space<hbm>> -> memref<32x1024xf32, #tpu.memory_space<hbm>>
        tpu.enqueue_dma source(%arg12 : memref<32x1024xf32, #tpu.memory_space<vmem>>) target(%dma_start3A_188 : memref<32x1024xf32, #tpu.memory_space<hbm>>) target_semaphore(%run_scoped3A : memref<!tpu.dma_semaphore, #tpu.memory_space<semaphore_mem>>)
        %dma_wait3A_189 = arith.constant 0 : i32
        %dma_wait3A_190 = tpu.memref_slice %arg5[%add3A_183, %dma_wait3A_189] : memref<32768x1024xf32, #tpu.memory_space<hbm>> -> memref<32x1024xf32, #tpu.memory_space<hbm>>
        %dma_wait3A_191 = arith.constant 0 : i32
        %dma_wait3A_192 = tpu.memref_slice %arg5[%add3A_183, %dma_wait3A_191] : memref<32768x1024xf32, #tpu.memory_space<hbm>> -> memref<32x1024xf32, #tpu.memory_space<hbm>>
        tpu.wait_dma2 semaphore(%run_scoped3A : memref<!tpu.dma_semaphore, #tpu.memory_space<semaphore_mem>>) src(%arg12 : memref<32x1024xf32, #tpu.memory_space<vmem>>) dst(%dma_wait3A_192 : memref<32x1024xf32, #tpu.memory_space<hbm>>)
        tpu.yield
      }) : () -> ()
      %while3A_184 = arith.constant 0 : i32
      scf.yield %while3A_184 : i32
    }
    %while3A_170 = arith.constant 1 : i32
    %while3A_171 = scf.for %while3A_177 = %while3A_167 to %while3A_163 step %while3A_170 iter_args(%while3A_178 = %while3A_169) -> (i32)  : i32 {
      %mul3A_179 = arith.constant 512 : i32
      %mul3A_180 = arith.muli %add3A_96, %mul3A_179 : i32
      %mul3A_181 = arith.constant 32 : i32
      %mul3A_182 = arith.muli %while3A_177, %mul3A_181 : i32
      %add3A_183 = arith.addi %mul3A_180, %mul3A_182 : i32
      "tpu.region"() ({
        %run_scoped3A = tpu.sem_alloc : memref<!tpu.dma_semaphore, #tpu.memory_space<semaphore_mem>>
        %dma_start3A_185 = arith.constant 0 : i32
        %dma_start3A_186 = tpu.memref_slice %arg5[%add3A_183, %dma_start3A_185] : memref<32768x1024xf32, #tpu.memory_space<hbm>> -> memref<32x1024xf32, #tpu.memory_space<hbm>>
        %dma_start3A_187 = arith.constant 0 : i32
        %dma_start3A_188 = tpu.memref_slice %arg5[%add3A_183, %dma_start3A_187] : memref<32768x1024xf32, #tpu.memory_space<hbm>> -> memref<32x1024xf32, #tpu.memory_space<hbm>>
        tpu.enqueue_dma source(%arg12 : memref<32x1024xf32, #tpu.memory_space<vmem>>) target(%dma_start3A_188 : memref<32x1024xf32, #tpu.memory_space<hbm>>) target_semaphore(%run_scoped3A : memref<!tpu.dma_semaphore, #tpu.memory_space<semaphore_mem>>)
        %dma_wait3A_189 = arith.constant 0 : i32
        %dma_wait3A_190 = tpu.memref_slice %arg5[%add3A_183, %dma_wait3A_189] : memref<32768x1024xf32, #tpu.memory_space<hbm>> -> memref<32x1024xf32, #tpu.memory_space<hbm>>
        %dma_wait3A_191 = arith.constant 0 : i32
        %dma_wait3A_192 = tpu.memref_slice %arg5[%add3A_183, %dma_wait3A_191] : memref<32768x1024xf32, #tpu.memory_space<hbm>> -> memref<32x1024xf32, #tpu.memory_space<hbm>>
        tpu.wait_dma2 semaphore(%run_scoped3A : memref<!tpu.dma_semaphore, #tpu.memory_space<semaphore_mem>>) src(%arg12 : memref<32x1024xf32, #tpu.memory_space<vmem>>) dst(%dma_wait3A_192 : memref<32x1024xf32, #tpu.memory_space<hbm>>)
        tpu.yield
      }) : () -> ()
      %while3A_184 = arith.constant 0 : i32
      scf.yield %while3A_184 : i32
    }
    %broadcast_in_dim3A_172 = vector.broadcast %scan3A_110 : i32 to vector<16xi32>
    %swap3A_173 = arith.constant 0 : index
    %swap3A_174 = tpu.vector_load %arg14[%swap3A_173] {strides = array<i32>} : memref<16xi32, #tpu.memory_space<vmem>>, vector<16xi32>,
    tpu.vector_store %arg14[%swap3A_173], %broadcast_in_dim3A_172 {strides = array<i32>} : memref<16xi32, #tpu.memory_space<vmem>>, vector<16xi32>,
    %mul3A_175 = arith.constant 16 : i32
    %mul3A_176 = arith.muli %add3A_96, %mul3A_175 : i32
    "tpu.region"() ({
      %run_scoped3A = tpu.sem_alloc : memref<!tpu.dma_semaphore, #tpu.memory_space<semaphore_mem>>
      %dma_start3A_177 = tpu.memref_slice %arg7[%mul3A_176] : memref<1024xi32, #tpu.memory_space<hbm>> -> memref<16xi32, #tpu.memory_space<hbm>>
      %dma_start3A_178 = tpu.memref_slice %arg7[%mul3A_176] : memref<1024xi32, #tpu.memory_space<hbm>> -> memref<16xi32, #tpu.memory_space<hbm>>
      tpu.enqueue_dma source(%arg14 : memref<16xi32, #tpu.memory_space<vmem>>) target(%dma_start3A_178 : memref<16xi32, #tpu.memory_space<hbm>>) target_semaphore(%run_scoped3A : memref<!tpu.dma_semaphore, #tpu.memory_space<semaphore_mem>>)
      %dma_wait3A_179 = tpu.memref_slice %arg7[%mul3A_176] : memref<1024xi32, #tpu.memory_space<hbm>> -> memref<16xi32, #tpu.memory_space<hbm>>
      %dma_wait3A_180 = tpu.memref_slice %arg7[%mul3A_176] : memref<1024xi32, #tpu.memory_space<hbm>> -> memref<16xi32, #tpu.memory_space<hbm>>
      tpu.wait_dma2 semaphore(%run_scoped3A : memref<!tpu.dma_semaphore, #tpu.memory_space<semaphore_mem>>) src(%arg14 : memref<16xi32, #tpu.memory_space<vmem>>) dst(%dma_wait3A_180 : memref<16xi32, #tpu.memory_space<hbm>>)
      tpu.yield
    }) : () -> ()
    return
  }
}

</mosaic_0001>

<sc_bundles>
// kernel: _dispatch.3.cloned.1.call-start
scs
__scs_entry_jumppad:
0x0: {  	(pc) =	sbr.rel $0x88, $3  }
0x1: {  	(tag) =	ssettag $0x0;
	lr =	simm.s32 $0x1  }
0x2: {  	[smem:$0x3F9E] =	sst lr;
	_ =	strace $0xD0000000  }
0x3: {  	_ = 	snop  }
0x4: {  	_ = 	snop  }
0x5: {  	_ = 	snop  }
0x6: {  	_ = 	snop  }
0x7: {  	_ = 	snop  }
__scs_overlays_trampoline_lowered:
0x8: {  	[smem:$0x3FAD] =	sst s0  }
0x9: {  	[smem:$0x3FAE] =	sst s1  }
0xa: {  	[smem:$0x3FAF] =	sst s2  }
0xb: {  	[smem:$0x3FB0] =	sst s3  }
0xc: {  	[smem:$0x3FB1] =	sst s4  }
0xd: {  	[smem:$0x3FB2] =	sst s5  }
0xe: {  	[smem:$0x3FB3] =	sst s6  }
0xf: {  	[smem:$0x3FB4] =	sst s7  }
0x10: {  	[smem:$0x3FB5] =	sst s8  }
0x11: {  	[smem:$0x3FB6] =	sst s9;
	s0 =	simm.s32 @!p0 $0x0  }
0x12: {  	s1 =	sld [smem:$0x3F9C];
	s0 =	simm.s32 @p0 $0x1  }
0x13: {  	[smem:$0x3FB7] =	sst s0;
	s0 =	simm.s32 @!p1 $0x0  }
0x14: {  	s2 =	sld [smem:$0x3F9B];
	s0 =	simm.s32 @p1 $0x1  }
0x15: {  	[smem:$0x3FB8] =	sst s0;
	s0 =	simm.s32 @!p2 $0x0  }
0x16: {  	s3 =	sld [smem:$0x3FDB];
	s0 =	simm.s32 @p2 $0x1  }
0x17: {  	s4 =	simm.s32 $0x1BF5;
	[smem:$0x3FBA] =	sst s0  }
0x18: {  	s0 =	sld [smem:$0x3F9D];
	_ =	swait.ge [sflag:s4], $0x0  }
0x19: {  	s7 =	sld [smem:$0x3F9E]  }
0x1a: {  	s8 =	sadd.s32 $0xFFFFE003, lr  }
0x1b: {  	s9 =	sadd.s32 $0xFFFFFEF7, lr;
	s5 =	simm.s32 $0xFFFFFFFF;
	p2 =	slt.u32 s8, $0xFFFFF086  }
0x1c: {  	p1 =	slt.u32 s9, $0xF7A;
	s5 =	simm.s32 @!p2 $0x0  }
0x1d: {  	s5 =	simm.s32 @p1 $0x1;
	p0 =	seq.s32 s7, s2  }
0x1e: {  	s7 =	smul.u32 @!p0 $0xF7A, s2;
	p2 =	seq.s32 @!p0 s5, $0x0  }
0x1f: {  	s9 =	smul.u32 $0xF7A, s1;
	s8 =	simm.s32 @!p0 $0x1BF5;
	p2 =	por !p2, p0  }
0x20: {  	[sflag:s8] =	ssyncset.s32 @!p0 $0xFFFFF086;
	s6 =	sadd.s32 @!p0 s3, s7;
	s7 =	simm.s32 @!p0 $0x108  }
0x21: {  	s3 =	sadd.s32 s3, s9;
	s6 =	sadd.s32 @!p0 $0x88, s6;
	s7 =	simm.s32 @p2 $0x1082  }
0x22: {  	[simem:s7], [sflag:s8] =	dma.local @!p0 [hbm:s6], $0xF7A  }
0x23: {  	s9 =	sor.u32 $0xD0000000, s2;
	s6 =	simm.s32 $0x108;
	_ =	swait.ge @!p0 [sflag:s8], $0x0  }
0x24: {  	s3 =	sadd.s32 $0x88, s3;
	s6 =	simm.s32 @!p1 $0x1082;
	[sflag:s4] =	ssyncset.s32 $0xFFFFF086  }
0x25: {  	[simem:s6], [sflag:s4] =	dma.local [hbm:s3], $0xF7A  }
0x26: {  	[smem:$0x3F9E] =	sst s1;
	(tag) =	ssettag s2;
	_ =	strace s9  }
0x27: {  	s1 =	sld [smem:$0x3FAE]  }
0x28: {  	s2 =	sld [smem:$0x3FAF]  }
0x29: {  	s4 =	sld [smem:$0x3FB1]  }
0x2a: {  	p0 =	seq.s32 s5, $0x0;
	s5 =	sld [smem:$0x3FB2]  }
0x2b: {  	s6 =	sld [smem:$0x3FB3]  }
0x2c: {  	s7 =	sld [smem:$0x3FB4]  }
0x2d: {  	s3 =	simm.s32 $0x108;
	s8 =	sld [smem:$0x3FB5]  }
0x2e: {  	s3 =	simm.s32 @!p0 $0x1082;
	s9 =	sld [smem:$0x3FB6]  }
0x2f: {  	lr =	sadd.s32 s0, s3;
	s0 =	sld [smem:$0x3FAD]  }
0x30: {  	s3 =	sld [smem:$0x3FB0]  }
0x31: {  	[smem:$0x3FB9] =	sst s10  }
0x32: {  	s10 =	sld [smem:$0x3FB7];
	_ =	sdelay $0x3  }
0x33: {  	p0 =	seq.s32 s10, $0x1;
	s10 =	sld [smem:$0x3FB9];
	_ =	sdelay $0x3  }
0x34: {  	[smem:$0x3FB9] =	sst s10  }
0x35: {  	s10 =	sld [smem:$0x3FB8];
	_ =	sdelay $0x3  }
0x36: {  	p1 =	seq.s32 s10, $0x1;
	s10 =	sld [smem:$0x3FB9];
	_ =	sdelay $0x3  }
0x37: {  	[smem:$0x3FB9] =	sst s10  }
0x38: {  	s10 =	sld [smem:$0x3FBA]  }
0x39: {  	_ = 	snop;
	(pc) =	sbr.ind lr, $3  }
0x3a: {  	_ = 	snop  }
0x3b: {  	_ = 	snop  }
0x3c: {  	p2 =	seq.s32 s10, $0x1;
	s10 =	sld [smem:$0x3FB9]  }
0x3d: {  	_ =	shalt  }
0x3e: {  	_ =	shalt  }
0x3f: {  	_ =	shalt  }
0x40: {  	_ =	shalt  }
0x41: {  	_ =	shalt  }
0x42: {  	_ =	shalt  }
0x43: {  	_ =	shalt  }
0x44: {  	_ =	shalt  }
0x45: {  	_ =	shalt  }
0x46: {  	_ =	shalt  }
0x47: {  	_ =	shalt  }
0x48: {  	_ =	shalt  }
0x49: {  	_ =	shalt  }
0x4a: {  	_ =	shalt  }
0x4b: {  	_ =	shalt  }
0x4c: {  	_ =	shalt  }
0x4d: {  	_ =	shalt  }
0x4e: {  	_ =	shalt  }
0x4f: {  	_ =	shalt  }
0x50: {  	_ =	shalt  }
0x51: {  	_ =	shalt  }
0x52: {  	_ =	shalt  }
0x53: {  	_ =	shalt  }
0x54: {  	_ =	shalt  }
0x55: {  	_ =	shalt  }
0x56: {  	_ =	shalt  }
0x57: {  	_ =	shalt  }
0x58: {  	_ =	shalt  }
0x59: {  	_ =	shalt  }
0x5a: {  	_ =	shalt  }
0x5b: {  	_ =	shalt  }
0x5c: {  	_ =	shalt  }
0x5d: {  	_ =	shalt  }
0x5e: {  	_ =	shalt  }
0x5f: {  	_ =	shalt  }
0x60: {  	_ =	shalt  }
0x61: {  	_ =	shalt  }
0x62: {  	_ =	shalt  }
0x63: {  	_ =	shalt  }
0x64: {  	_ =	shalt  }
0x65: {  	_ =	shalt  }
0x66: {  	_ =	shalt  }
0x67: {  	_ =	shalt  }
0x68: {  	_ =	shalt  }
0x69: {  	_ =	shalt  }
0x6a: {  	_ =	shalt  }
0x6b: {  	_ =	shalt  }
0x6c: {  	_ =	shalt  }
0x6d: {  	_ =	shalt  }
0x6e: {  	_ =	shalt  }
0x6f: {  	_ =	shalt  }
0x70: {  	_ =	shalt  }
0x71: {  	_ =	shalt  }
0x72: {  	_ =	shalt  }
0x73: {  	_ =	shalt  }
0x74: {  	_ =	shalt  }
0x75: {  	_ =	shalt  }
0x76: {  	_ =	shalt  }
0x77: {  	_ =	shalt  }
0x78: {  	_ =	shalt  }
0x79: {  	_ =	shalt  }
0x7a: {  	_ =	shalt  }
0x7b: {  	_ =	shalt  }
0x7c: {  	_ =	shalt  }
0x7d: {  	_ =	shalt  }
0x7e: {  	_ =	shalt  }
0x7f: {  	_ =	shalt  }
0x80: {  	_ =	shalt  }
0x81: {  	_ =	shalt  }
0x82: {  	_ =	shalt  }
0x83: {  	_ =	shalt  }
0x84: {  	_ =	shalt  }
0x85: {  	_ =	shalt  }
0x86: {  	_ =	shalt  }
0x87: {  	_ =	shalt  }
.Lfunc_end0:
.L_simem_size_0:
called_computation_lowered:
.L_overlay_start_0:
0x88: {  	s2 =	sld [smem:$0x3FD9]  }
0x89: {  	s3 =	sld [smem:$0x3FFE];
	_ =	sdelay $0x1  }
0x8a: {  	s1 =	srdreg.scid  }
0x8b: {  	s0 =	sand.u32 $0x1, s1  }
0x8c: {  	s15 =	sshll.u32 s0, $0xA;
	s2 =	sadd.s32 s3, s2  }
0x8d: {  	s2 =	sadd.s32 s2, s15  }
0x8e: {  	[smem:$0x3FC5] =	sst s2  }
0x8f: {  	_ = 	snop  }
0x90: {  	s2 =	sld [smem:$0x3FD0]  }
0x91: {  	s16 =	sld [smem:$0x3FC9]  }
0x92: {  	s4 =	sld [smem:$0x3FC8]  }
0x93: {  	s6 =	simm.s32 $0xA;
	s7 =	simm.s32 $0x10;
	s5 =	sld [smem:$0x3FC7]  }
0x94: {  	[smem:s7], [sflag:s6] =	dma.local [hbm:s2], $0x1  }
0x95: {  	_ =	swait.eq [sflag:s6], $0x1  }
0x96: {  	s17 =	sld [smem:$0x10];
	[sflag:s6] =	ssyncset.done $0x0  }
0x97: {  	s18 =	sld [smem:$0x11];
	[sflag:s6] =	ssyncadd.s32 $0xFFFFFFFF  }
0x98: {  	s19 =	sld [smem:$0x12];
	(tm) =	ssettm $0x1  }
0x99: {  	s8 =	sld [smem:$0x3FFB];
	_ =	sdelay $0x3  }
0x9a: {  	_ =	strace s8  }
0x9b: {  	s8 =	sld [smem:$0x3FFC];
	_ =	sdelay $0x3  }
0x9c: {  	_ =	strace s8  }
0x9d: {  	s8 =	sld [smem:$0x3FFD];
	_ =	sdelay $0x3  }
0x9e: {  	_ =	strace s8  }
0x9f: {  	_ =	strace $0x8FFFFFFF  }
0xa0: {  	s20 =	sld [smem:$0x3FDB];
	_ =	sdelay $0x1  }
0xa1: {  	s9 =	simm.s32 $_scs_section_size  }
0xa2: {  	s10 =	simm.s32 $_size__tile_overlayer_lowered;
	s11 =	simm.s32 $_tile_overlayer_lowered  }
0xa3: {  	s23 =	simm.s32 $0x1BFF;
	s22 =	sshll.u32 s11, $0x1;
	s8 =	sadd.s32 s9, s20  }
0xa4: {  	s12 =	simm.s32 $0x0;
	s21 =	sshll.u32 s10, $0x1;
	s10 =	sadd.s32 s22, s8  }
0xa5: {  	[timem:s12], [sflag:s23] =	dma.local [hbm:s10], s21  }
0xa6: {  	_ =	swait.ge [sflag:s23], s21  }
0xa7: {  	s9 =	ssub.s32 $0x0, s21;
	[sflag:s23] =	ssyncset.done $0x0  }
0xa8: {  	[sflag:s23] =	ssyncadd.s32 s9;
	_ =	sdelay $0x1  }
0xa9: {  	s24 =	simm.s32 $0x1B8B  }
0xaa: {  	_ =	swait.ge [sflag:s24], $0x1  }
0xab: {  	[sflag:s24] =	ssyncset.done $0x0  }
0xac: {  	s25 =	simm.s32 $0x1B8E;
	[sflag:s24] =	ssyncadd.s32 $0xFFFFFFFF  }
0xad: {  	s26 =	simm.s32 $execute0_lowered;
	[smem:$0x3FD2] =	sst s25  }
0xae: {  	s9 =	sshll.u32 s26, $0x1;
	_ =	strace $0x80000046;
	[dreg:$0x1] =	wrdreg $0xFFFFFFFF  }
0xaf: {  	s28 =	simm.s32 $_size_execute0_lowered;
	s8 =	sadd.s32 s8, s9;
	[dreg:$0x0] =	wrdreg $0x0  }
0xb0: {  	s9 =	sshll.u32 s28, $0x1;
	[dreg:$0x2] =	wrdreg s8  }
0xb1: {  	[dreg:$0x3] =	wrdreg s9  }
0xb2: {  	[dreg:$0x4] =	wrdreg $0xC0  }
0xb3: {  	_ =	task [dreg:s12], $0x5FFFF  }
0xb4: {  	[dreg:$0x1] =	wrdreg $0xFFFFFFFF  }
0xb5: {  	[dreg:$0x0] =	wrdreg $0x60  }
0xb6: {  	[dreg:$0x2] =	wrdreg s16  }
0xb7: {  	[dreg:$0x3] =	wrdreg s4  }
0xb8: {  	[dreg:$0x4] =	wrdreg s5  }
0xb9: {  	[dreg:$0x5] =	wrdreg s17  }
0xba: {  	[dreg:$0x6] =	wrdreg s18  }
0xbb: {  	[dreg:$0x7] =	wrdreg s19  }
0xbc: {  	[dreg:$0x8] =	wrdreg $0x9  }
0xbd: {  	_ =	task.clear_ibuf [dreg:s12], $0x9FFFF;
	_ =	strace $0x90000046  }
0xbe: {  	s29 =	simm.s32 $0x9;
	_ =	strace $0x80000048  }
0xbf: {  	_ =	swait.ge [sflag:s29], $0x1  }
0xc0: {  	[sflag:s29] =	ssyncadd.s32 $0xFFFFFFFF  }
0xc1: {  	_ =	strace $0x90000048  }
0xc2: {  	_ =	sfence  }
0xc3: {  	s30 =	sld [smem:$0x0];
	_ =	sdelay $0x2  }
0xc4: {  	s31 =	sshll.u32 s1, $0xD;
	s1 =	sshrl.u32 s1, $0x2  }
0xc5: {  	s3 =	sand.u32 $0x4000, s31;
	s1 =	sadd.s32 s1, s30  }
0xc6: {  	s0 =	sor.u32 s3, s0;
	s1 =	sshll.u32 s1, $0x11  }
0xc7: {  	s0 =	sor.u32 s1, s0  }
0xc8: {  	s0 =	sadd.s32 $0x8F2B, s0  }
0xc9: {  	[sflag:s0] =	ssyncadd.remote.s32 $0x1  }
0xca: {  	_ =	sfence.sel $0xFFFF  }
0xcb: {  	[dreg:$0x0] =	wrdreg $0xFFFFFFFF;
	(pc) =	sbr.abs _section_cstart, $3  }
0xcc: {  	[dreg:$0x1] =	wrdreg $0xFFFFFFFF  }
0xcd: {  	_ =	task.clear_ibuf [dreg:s12], $0x2FFFF;
	_ =	strace $0x9FFFFFFF  }
0xce: {  	(tm) =	ssettm $0x7FFFFFFF  }
0xcf: {  	_ =	shalt  }
tec
execute0_lowered:
.L_overlay_start_1:
0x0: {  	(tag) =	ssettag $0x1  }
0x1: {  	s0 =	rddreg [dreg:$0x0]  }
0x2: {  	s14 =	rddreg [dreg:$0x3]  }
0x3: {  	s1 =	rddreg [dreg:$0x4]  }
0x4: {  	s2 =	srdreg.scid;
	s3 =	rddreg [dreg:$0x5];
	s6 =	simm.s32 $0x0  }
0x5: {  	s15 =	stileid.u32;
	s19 =	simm.s32 $0x2;
	s20 =	simm.s32 $0x4000  }
0x6: {  	s29 =	simm.s32 $0xC080;
	s31 =	simm.s32 $0xC880;
	s2 =	sand.u32 $0x1, s2  }
0x7: {  	[smem:$0x7FF] =	sst s6;
	s21 =	sshll.u32 s15, $0x1;
	s7 =	sadd.s32 $0x100, s0  }
0x8: {  	s8 =	sadd.s32 $0x200, s0;
	s9 =	sadd.s32 $0x300, s0;
	s23 =	sshll.u32 s15, $0x15  }
0x9: {  	s24 =	sshll.u32 s15, $0x12;
	s4 =	ssub.s32 $0x2, s2;
	s25 =	sshll.u32 s2, $0x14  }
0xa: {  	_ =	strace $0x80000047;
	s5 =	sshrl.u32 s4, $0x1;
	s26 =	sor.u32 s25, s23  }
0xb: {  	s4 =	ssub.s32 s4, s5;
	s5 =	sor.u32 s2, s21;
	s2 =	sshll.u32 s2, $0x11  }
0xc: {  	[dreg:$0xb] =	wrdreg s26;
	s10 =	sshll.u32 s5, $0x1;
	s11 =	sshllo.u32 s5, $0x1  }
0xd: {  	s12 =	sshll.u32 s5, $0xA;
	s5 =	sshll.u32 s5, $0x2;
	s28 =	smax.u32 s4, $0x1  }
0xe: {  	s13 =	sshll.u32 s11, $0x9;
	s12 =	sadd.s32 s1, s12;
	[dreg:$0xd] =	wrdreg s28  }
0xf: {  	v1 =	vlaneseq.u32;
	v7 =	vimm.s32 $0x10000;
	s5 =	sadd.s32 s3, s5;
	s22 =	sshll.u32 s11, $0x1;
	[dreg:$0x7] =	wrdreg s12  }
0x10: {  	v8 =	vimm.s32 $0x2000;
	vm0 =	vmmov $0xffff;
	v11 =	vimm.s32 $0x4000;
	[dreg:$0x8] =	wrdreg s5;
	s1 =	sadd.s32 s1, s13;
	s12 =	sadd.s32 s24, s14  }
.Ltmp0:
0x11: {  	v12 =	vimm.s32 $0x0;
	v2 =	vand.u32 $0x7, v1;
	v3 =	vshrl.u32 v1, $0x3;
	[dreg:$0x9] =	wrdreg s1;
	s1 =	sadd.s32 s3, s22;
	(pc) =	sbr.rel .LBB2_1-.Ltmp0, $4  }
0x12: {  	v4 =	vor.u32 $0x8, v1;
	v9 =	vperm.xlane v7, v2;
	v3 =	vmul.u32 $0x8, v3;
	s25 =	simm.s32 $0x8000;
	s2 =	sadd.s32 s2, s12;
	[dreg:$0xa] =	wrdreg s1  }
0x13: {  	v13 =	vimm.f32 $-1.000000000e+00;
	v14 =	vimm.f32 $0.0e+00;
	v10 =	vperm.xlane v7, v4;
	s21 =	simm.s32 $0x14080;
	s1 =	sor.u32 $0x80000, s26;
	[dreg:$0xc] =	wrdreg s2  }
0x14: {  	v9 =	vadd.s32 v3, v9;
	v0 =	vmov s10;
	v5 =	vmov s11;
	s24 =	simm.s32 $0x1;
	s30 =	sadd.s32 $0x10000, s2;
	[dreg:$0xe] =	wrdreg s1  }
0x15: {  	v10 =	vadd.s32 v3, v10;
	v6 =	vcvt.s32.f32 v0;
	v7 =	vcvt.s32.f32 v5;
	s26 =	simm.s32 $0x1C080;
	[dreg:$0xf] =	wrdreg s30;
	s1 =	simm.s32 $0x0  }
.LBB2_26:
0x16: {  	[sflag:s19] =	ssyncadd.s32 $0xFFFF8000  }
.LBB2_27:
0x17: {  	s2 =	rddreg [dreg:$0x12]  }
0x18: {  	v15 =	vmov s2  }
0x19: {  	s28 =	rddreg [dreg:$0xa];
	s4 =	simm.s32 $0x1D080;
	[tilespmem:$0x1D080] =	vst v15  }
0x1a: {  	[hbm4b:s28+s6] =	stream.linear.scatter [tilespmem:s4], [sflag:$0x2], $0x10, $0x38;
	[tilespmem:$0x1D100] =	vst v63  }
0x1b: {  	_ =	swait.ge [sflag:s19], $0x10  }
0x1c: {  	s1 =	sadd.s32 $0x1, s1;
	s30 =	rddreg [dreg:$0xd]  }
0x1d: {  	p0 =	sne.s32 s1, s30  }
.Ltmp1:
0x1e: {  	_ = 	snop;
	(pc) =	sbr.rel @!p0 .LBB2_28-.Ltmp1, $3  }
0x1f: {  	_ =	sdelay $0x1  }
0x20: {  	[sflag:s19] =	ssyncset.done $0x0  }
0x21: {  	[sflag:s19] =	ssyncadd.s32 $0xFFFFFFF0  }
.LBB2_1:
0x22: {  	s4 =	rddreg [dreg:$0x1]  }
0x23: {  	[tilespmem:s6], [sflag:$0x2] =	stream.linear.gather [hbm4b:s4+s6], $0x4000, $0x38;
	[tilespmem:$0x1D100] =	vst v63  }
0x24: {  	_ =	swait.ge [sflag:s19], $0x4000  }
0x25: {  	[sflag:s19] =	ssyncset.done $0x0  }
0x26: {  	[sflag:s19] =	ssyncadd.s32 $0xFFFFC000  }
0x27: {  	s2 =	rddreg [dreg:$0x2]  }
0x28: {  	[tilespmem:s20], [sflag:$0x2] =	stream.linear.gather [hbm4b:s2+s6], $0x4000, $0x38;
	[tilespmem:$0x1D100] =	vst v63  }
0x29: {  	_ =	swait.ge [sflag:s19], $0x4000  }
0x2a: {  	[sflag:s19] =	ssyncset.done $0x0  }
0x2b: {  	[sflag:s19] =	ssyncadd.s32 $0xFFFFC000  }
0x2c: {  	[tilespmem:$0x8000] =	vst v8  }
0x2d: {  	[tilespmem:$0x8010] =	vst v8  }
0x2e: {  	[tilespmem:s21], [sflag:$0x1] =	stream.indirect_vreg.gather [hbm4b:s0+s6], $0x80, v9, vm0, $0xb8;
	[tilespmem:$0x1D100] =	vst v63  }
0x2f: {  	s2 =	simm.s32 $0x14880  }
0x30: {  	[tilespmem:s2], [sflag:$0x1] =	stream.indirect_vreg.gather [hbm4b:s7+s6], $0x80, v9, vm0, $0xb8;
	[tilespmem:$0x1D100] =	vst v63  }
0x31: {  	s3 =	simm.s32 $0x15080  }
0x32: {  	[tilespmem:s3], [sflag:$0x1] =	stream.indirect_vreg.gather [hbm4b:s8+s6], $0x80, v9, vm0, $0xb8;
	[tilespmem:$0x1D100] =	vst v63  }
0x33: {  	s4 =	simm.s32 $0x15880  }
0x34: {  	[tilespmem:s4], [sflag:$0x1] =	stream.indirect_vreg.gather [hbm4b:s9+s6], $0x80, v9, vm0, $0xb8;
	[tilespmem:$0x1D100] =	vst v63  }
0x35: {  	s5 =	simm.s32 $0x16080  }
0x36: {  	[tilespmem:s5], [sflag:$0x1] =	stream.indirect_vreg.gather [hbm4b:s0+s6], $0x80, v10, vm0, $0xb8;
	[tilespmem:$0x1D100] =	vst v63  }
0x37: {  	s10 =	simm.s32 $0x16880  }
0x38: {  	[tilespmem:s10], [sflag:$0x1] =	stream.indirect_vreg.gather [hbm4b:s7+s6], $0x80, v10, vm0, $0xb8;
	[tilespmem:$0x1D100] =	vst v63  }
0x39: {  	s11 =	simm.s32 $0x17080  }
0x3a: {  	[tilespmem:s11], [sflag:$0x1] =	stream.indirect_vreg.gather [hbm4b:s8+s6], $0x80, v10, vm0, $0xb8;
	[tilespmem:$0x1D100] =	vst v63  }
0x3b: {  	s12 =	simm.s32 $0x17880  }
0x3c: {  	[tilespmem:s12], [sflag:$0x1] =	stream.indirect_vreg.gather [hbm4b:s9+s6], $0x80, v10, vm0, $0xb8;
	[tilespmem:$0x1D100] =	vst v63  }
0x3d: {  	v15 =	vld [tilespmem:$0x8010];
	_ =	sdelay $0x4  }
0x3e: {  	v16 =	vshll.u32 v15, $0x3  }
0x3f: {  	v15 =	vand.u32 $0x7, v15;
	v16 =	vand.u32 $0xFFFFFFC0, v16  }
0x40: {  	v15 =	vor.u32 v15, v16  }
0x41: {  	v16 =	vperm.xlane v15, v2;
	_ =	sdelay $0x1  }
0x42: {  	v16 =	vadd.s32 v3, v16;
	_ =	sdelay $0x3  }
0x43: {  	s13 =	simm.s32 $0x18080  }
0x44: {  	[tilespmem:s13], [sflag:$0x1] =	stream.indirect_vreg.gather [hbm4b:s0+s6], $0x80, v16, vm0, $0xb8;
	[tilespmem:$0x1D100] =	vst v63  }
0x45: {  	s14 =	simm.s32 $0x18880;
	v15 =	vperm.xlane v15, v4  }
0x46: {  	[tilespmem:s14], [sflag:$0x1] =	stream.indirect_vreg.gather [hbm4b:s7+s6], $0x80, v16, vm0, $0xb8;
	[tilespmem:$0x1D100] =	vst v63  }
0x47: {  	s15 =	simm.s32 $0x19080;
	v15 =	vadd.s32 v3, v15  }
0x48: {  	[tilespmem:s15], [sflag:$0x1] =	stream.indirect_vreg.gather [hbm4b:s8+s6], $0x80, v16, vm0, $0xb8;
	[tilespmem:$0x1D100] =	vst v63  }
0x49: {  	s16 =	simm.s32 $0x19880  }
0x4a: {  	[tilespmem:s16], [sflag:$0x1] =	stream.indirect_vreg.gather [hbm4b:s9+s6], $0x80, v16, vm0, $0xb8;
	[tilespmem:$0x1D100] =	vst v63  }
0x4b: {  	s17 =	simm.s32 $0x1A080  }
0x4c: {  	[tilespmem:s17], [sflag:$0x1] =	stream.indirect_vreg.gather [hbm4b:s0+s6], $0x80, v15, vm0, $0xb8;
	[tilespmem:$0x1D100] =	vst v63  }
0x4d: {  	s18 =	simm.s32 $0x1A880  }
0x4e: {  	[tilespmem:s18], [sflag:$0x1] =	stream.indirect_vreg.gather [hbm4b:s7+s6], $0x80, v15, vm0, $0xb8;
	[tilespmem:$0x1D100] =	vst v63  }
0x4f: {  	s22 =	simm.s32 $0x1B080  }
0x50: {  	[tilespmem:s22], [sflag:$0x1] =	stream.indirect_vreg.gather [hbm4b:s8+s6], $0x80, v15, vm0, $0xb8;
	[tilespmem:$0x1D100] =	vst v63  }
0x51: {  	s23 =	simm.s32 $0x1B880  }
0x52: {  	[tilespmem:s23], [sflag:$0x1] =	stream.indirect_vreg.gather [hbm4b:s9+s6], $0x80, v15, vm0, $0xb8;
	[tilespmem:$0x1D100] =	vst v63  }
0x53: {  	_ =	swait.ge [sflag:s24], $0x8000  }
0x54: {  	[sflag:s24] =	ssyncset.done $0x0  }
0x55: {  	[sflag:s24] =	ssyncadd.s32 $0xFFFF8000  }
0x56: {  	[tilespmem:$0x8000] =	vst v11  }
0x57: {  	[tilespmem:$0x8010] =	vst v11  }
0x58: {  	[tilespmem:$0x8020] =	vst v11  }
0x59: {  	[tilespmem:$0x8030] =	vst v11  }
0x5a: {  	[tilespmem:$0x8040] =	vst v11  }
0x5b: {  	[tilespmem:$0x8050] =	vst v11  }
0x5c: {  	[tilespmem:$0x8060] =	vst v11  }
0x5d: {  	[tilespmem:$0x8070] =	vst v11  }
0x5e: {  	[tilespmem:$0x8080] =	vst v11  }
0x5f: {  	[tilespmem:$0x8090] =	vst v11  }
0x60: {  	[tilespmem:$0x80A0] =	vst v11  }
0x61: {  	[tilespmem:$0x80B0] =	vst v11  }
0x62: {  	[tilespmem:$0x80C0] =	vst v11  }
0x63: {  	[tilespmem:$0x80D0] =	vst v11  }
0x64: {  	[tilespmem:$0x80E0] =	vst v11  }
0x65: {  	[tilespmem:$0x80F0] =	vst v11  }
0x66: {  	[tilespmem:$0x8100] =	vst v11  }
0x67: {  	[tilespmem:$0x8110] =	vst v11  }
0x68: {  	[tilespmem:$0x8120] =	vst v11  }
0x69: {  	[tilespmem:$0x8130] =	vst v11  }
0x6a: {  	[tilespmem:$0x8140] =	vst v11  }
0x6b: {  	[tilespmem:$0x8150] =	vst v11  }
0x6c: {  	[tilespmem:$0x8160] =	vst v11  }
0x6d: {  	[tilespmem:$0x8170] =	vst v11  }
0x6e: {  	[tilespmem:$0x8180] =	vst v11  }
0x6f: {  	[tilespmem:$0x8190] =	vst v11  }
0x70: {  	[tilespmem:$0x81A0] =	vst v11  }
0x71: {  	[tilespmem:$0x81B0] =	vst v11  }
0x72: {  	[tilespmem:$0x81C0] =	vst v11  }
0x73: {  	[tilespmem:$0x81D0] =	vst v11  }
0x74: {  	[tilespmem:$0x81E0] =	vst v11  }
0x75: {  	[tilespmem:$0x81F0] =	vst v11  }
0x76: {  	[tilespmem:$0x8200] =	vst v11  }
0x77: {  	[tilespmem:$0x8210] =	vst v11  }
0x78: {  	[tilespmem:$0x8220] =	vst v11  }
0x79: {  	[tilespmem:$0x8230] =	vst v11  }
0x7a: {  	v15 =	vld [tilespmem:s6+$0x0];
	_ =	sdelay $0x4  }
0x7b: {  	vm1 =	veq.s32 v15, v0  }
0x7c: {  	v15 =	vsel vm1, $0x1, v12  }
0x7d: {  	(xrf0) =	vadd.scan.msk.s32 $0xffff, v15;
	_ =	sdelay $0x5  }
0x7e: {  	s30 =	simm.s32 $0xFFFFFFFF;
	v15, _, _ =	vpop (xrf0)  }
0x7f: {  	v16 =	vadd.s32 s30, v15;
	(v2sf) =	vpush v15, $0xF;
	_ =	sdelay $0x3  }
0x80: {  	v17 =	vor.u32 s6, v1  }
0x81: {  	s4 =	simm.s32 $0x10;
	[tilespmem:v16+s25+$0x0] =	vst.idx.msk vm1, v17  }
0x82: {  	s28 =	simm.s32 $0x10;
	s14 =	simm.s32 $0x0;
	s17 =	simm.s32 $0x20;
	v15 =	vld [tilespmem:s4+$0x0]  }
.LBB2_2:
0x83: {  	p0 =	sne.s32 s17, $0x3FF0;
	_ =	sdelay $0x3  }
0x84: {  	vm1 =	veq.s32 v15, v0  }
0x85: {  	v15 =	vsel vm1, $0x1, v12  }
0x86: {  	(xrf0) =	vadd.scan.msk.s32 $0xffff, v15;
	_ =	sdelay $0x1  }
0x87: {  	s30 =	spop (v2sf)  }
0x88: {  	s14 =	sadd.s32 s14, s30  }
0x89: {  	s30 =	sadd.s32 $0xFFFFFFFF, s14;
	_ =	sdelay $0x1  }
0x8a: {  	v15, _, _ =	vpop (xrf0)  }
0x8b: {  	v16 =	vadd.s32 s30, v15;
	(v2sf) =	vpush v15, $0xF;
	_ =	sdelay $0x1  }
.Ltmp2:
0x8c: {  	(pc) =	sbr.rel @p0 .LBB2_2-.Ltmp2, $4  }
0x8d: {  	_ = 	snop  }
0x8e: {  	v15 =	vor.u32 s4, v1;
	s4 =	smov.u32 s17  }
0x8f: {  	s28 =	sadd.s32 $0x10, s28;
	[tilespmem:v16+s25+$0x0] =	vst.idx.msk vm1, v15  }
0x90: {  	s17 =	sadd.s32 $0x10, s17;
	v15 =	vld [tilespmem:s28+$0x0]  }
0x91: {  	_ =	sdelay $0x3  }
0x92: {  	vm1 =	veq.s32 v15, v0  }
0x93: {  	v15 =	vsel vm1, $0x1, v12  }
0x94: {  	(xrf0) =	vadd.scan.msk.s32 $0xffff, v15;
	_ =	sdelay $0x5  }
0x95: {  	v15, _, _ =	vpop (xrf0)  }
0x96: {  	(v2sf) =	vpush v15, $0xF;
	_ =	sdelay $0x7  }
0x97: {  	s17 =	spop (v2sf)  }
0x98: {  	s14 =	sadd.s32 s14, s17  }
0x99: {  	s17 =	sadd.s32 $0xFFFFFFFF, s14  }
0x9a: {  	v15 =	vadd.s32 s17, v15;
	_ =	sdelay $0x3  }
0x9b: {  	v16 =	vor.u32 s4, v1;
	s30 =	spop (v2sf)  }
0x9c: {  	s4 =	simm.s32 $0x40;
	[tilespmem:v15+s25+$0x0] =	vst.idx.msk vm1, v16;
	s28 =	sadd.s32 s14, s30;
	s14 =	simm.s32 $0x0  }
.LBB2_4:
0x9d: {  	p0 =	sne.s32 s4, $0x3FC0;
	[tilespmem:s14+$0x1C080] =	vst v13;
	s14 =	smov.u32 s4;
	s4 =	sadd.s32 $0x40, s4  }
.Ltmp3:
0x9e: {  	(pc) =	sbr.rel @p0 .LBB2_4-.Ltmp3, $2  }
0x9f: {  	_ =	sdelay $0x2  }
0xa0: {  	s14 =	sshra.s32 s14, $0x2  }
0xa1: {  	[tilespmem:s14+$0x1C080] =	vst v13;
	s17 =	simm.s32 $0x8000  }
0xa2: {  	v16 =	vld [tilespmem:s17+$0x0];
	_ =	sdelay $0x1  }
0xa3: {  	p0 =	slt.s32 s28, $0x200  }
0xa4: {  	[dreg:$0x11] =	wrdreg s28;
	s4 =	simm.s32 $0x0;
	s28 =	simm.s32 @!p0 $0x200  }
0xa5: {  	v17 =	vor.u32 s4, v1;
	v15 =	vmov s28  }
0xa6: {  	vm1 =	vlt.s32 v17, v15;
	v18 =	vand.u32 $0x3FFF, v16  }
0xa7: {  	v17 =	vshll.u32 v17, $0x3  }
0xa8: {  	v19 =	vor.u32 $0x1, v17  }
0xa9: {  	v22 =	vor.u32 $0x2, v17;
	v20 =	vshrl.u32 v16, $0xC;
	v21 =	vshrl.u32 v16, $0x1  }
0xaa: {  	v23 =	vor.u32 $0x3, v17;
	v21 =	vand.u32 $0x7FF, v21;
	v20 =	vcvt.s32.f32 v20  }
0xab: {  	v24 =	vor.u32 $0x4, v17;
	v16 =	vand.u32 $0x1, v16;
	v21 =	vcvt.s32.f32 v21;
	v18 =	vld.idx.msk [tilespmem:v18+s20+$0x0], $0xffff  }
0xac: {  	v63 =	vor.u32 $0x5, v17;
	v16 =	vcvt.s32.f32 v16;
	[tilespmem:v17+s26+$0x0] =	vst.idx.msk vm1, v20  }
0xad: {  	[tilespmem:v19+s26+$0x0] =	vst.idx.msk vm1, v21;
	v19 =	vor.u32 $0x6, v17  }
0xae: {  	[tilespmem:v22+s26+$0x0] =	vst.idx.msk vm1, v16  }
0xaf: {  	v16 =	vor.u32 $0x7, v17;
	[tilespmem:v23+s26+$0x0] =	vst.idx.msk vm1, v6  }
0xb0: {  	[tilespmem:v24+s26+$0x0] =	vst.idx.msk vm1, v18  }
0xb1: {  	[tilespmem:v63+s26+$0x0] =	vst.idx.msk vm1, v14  }
0xb2: {  	s14 =	simm.s32 $0x10;
	[tilespmem:v19+s26+$0x0] =	vst.idx.msk vm1, v14  }
.LBB2_6:
0xb3: {  	p0 =	sne.s32 s14, $0x1F0  }
0xb4: {  	[tilespmem:v16+s26+$0x0] =	vst.idx.msk vm1, v14;
	s17 =	sadd.s32 $0x10, s17;
	s4 =	smov.u32 s14;
	s14 =	sadd.s32 $0x10, s14  }
0xb5: {  	v16 =	vld [tilespmem:s17+$0x0];
	_ =	sdelay $0x3  }
0xb6: {  	v17 =	vor.u32 s4, v1  }
0xb7: {  	v18 =	vshrl.u32 v16, $0xC;
	v19 =	vshrl.u32 v16, $0x1;
	v20 =	vand.u32 $0x3FFF, v16  }
0xb8: {  	vm1 =	vlt.s32 v17, v15;
	v16 =	vand.u32 $0x1, v16;
	v19 =	vand.u32 $0x7FF, v19  }
0xb9: {  	v17 =	vshll.u32 v17, $0x3  }
0xba: {  	v21 =	vor.u32 $0x1, v17  }
0xbb: {  	v22 =	vor.u32 $0x2, v17  }
0xbc: {  	v23 =	vor.u32 $0x3, v17;
	v18 =	vcvt.s32.f32 v18;
	v20 =	vld.idx.msk [tilespmem:v20+s20+$0x0], $0xffff  }
0xbd: {  	v24 =	vor.u32 $0x4, v17;
	v19 =	vcvt.s32.f32 v19  }
0xbe: {  	v16 =	vcvt.s32.f32 v16;
	[tilespmem:v17+s26+$0x0] =	vst.idx.msk vm1, v18;
	v18 =	vor.u32 $0x5, v17  }
0xbf: {  	[tilespmem:v21+s26+$0x0] =	vst.idx.msk vm1, v19;
	v19 =	vor.u32 $0x6, v17  }
.Ltmp4:
0xc0: {  	[tilespmem:v22+s26+$0x0] =	vst.idx.msk vm1, v16;
	v16 =	vor.u32 $0x7, v17;
	(pc) =	sbr.rel @p0 .LBB2_6-.Ltmp4, $4  }
0xc1: {  	[tilespmem:v23+s26+$0x0] =	vst.idx.msk vm1, v6  }
0xc2: {  	[tilespmem:v24+s26+$0x0] =	vst.idx.msk vm1, v20  }
0xc3: {  	[tilespmem:v18+s26+$0x0] =	vst.idx.msk vm1, v14  }
0xc4: {  	[tilespmem:v19+s26+$0x0] =	vst.idx.msk vm1, v14  }
0xc5: {  	_ =	sdelay $0x3  }
0xc6: {  	[dreg:$0x10] =	wrdreg s1  }
0xc7: {  	[tilespmem:v16+s26+$0x0] =	vst.idx.msk vm1, v14;
	s4 =	simm.s32 $0x0;
	s2 =	rddreg [dreg:$0x7]  }
0xc8: {  	[hbm4b:s2+s4] =	stream.linear.scatter [tilespmem:s26], [sflag:$0x2], $0x1000, $0x38;
	[tilespmem:$0x1D100] =	vst v63  }
0xc9: {  	_ =	swait.ge [sflag:s19], $0x1000  }
0xca: {  	[sflag:s19] =	ssyncset.done $0x0  }
0xcb: {  	s14 =	simm.s32 $0x0;
	s4 =	simm.s32 $0x40;
	[sflag:s19] =	ssyncadd.s32 $0xFFFFF000  }
.LBB2_8:
0xcc: {  	p0 =	sne.s32 s4, $0x7C0;
	v15 =	vld [tilespmem:s14+$0x8000];
	_ =	sdelay $0x1  }
.Ltmp5:
0xcd: {  	(pc) =	sbr.rel @p0 .LBB2_8-.Ltmp5, $3  }
0xce: {  	_ =	sdelay $0x1  }
0xcf: {  	v15 =	vshrl.u32 v15, $0x1  }
0xd0: {  	[tilespmem:s14+$0x8000] =	vst v15;
	s14 =	sshra.s32 s4, $0x2;
	s4 =	sadd.s32 $0x40, s4  }
0xd1: {  	s1 =	sadd.s32 $0x1F, s28;
	s30 =	rddreg [dreg:$0xb]  }
0xd2: {  	v15 =	vld [tilespmem:s14+$0x8000];
	s2 =	rddreg [dreg:$0x3];
	s5 =	simm.s32 $0xD080;
	s17 =	sshrl.u32 s1, $0x5  }
0xd3: {  	s3 =	simm.s32 $0xE080;
	s22 =	simm.s32 $0xE880;
	p0 =	sne.s32 s17, $0x0  }
.Ltmp6:
0xd4: {  	s23 =	simm.s32 $0xF080;
	s18 =	simm.s32 $0xF880;
	(pc) =	sbr.rel @!p0 .LBB2_10-.Ltmp6, $4  }
0xd5: {  	s15 =	simm.s32 $0x10080;
	s10 =	simm.s32 $0x10880;
	s11 =	simm.s32 $0x11080  }
0xd6: {  	s12 =	simm.s32 $0x11880;
	s13 =	simm.s32 $0x12080;
	s16 =	simm.s32 $0x12880  }
0xd7: {  	s28 =	simm.s32 $0x13080;
	s4 =	simm.s32 $0x13880;
	[dreg:$0x15] =	wrdreg s1;
	v15 =	vshrl.u32 v15, $0x1  }
0xd8: {  	s1 =	simm.s32 $0xD880;
	[dreg:$0x13] =	wrdreg s17;
	[tilespmem:s14+$0x8000] =	vst v15;
	s14 =	simm.s32 $0x8010  }
.LBB2_29:
0xd9: {  	v15 =	vld [tilespmem:s14+$0xFFFFFFF0];
	_ =	sdelay $0x4  }
0xda: {  	v16 =	vshll.u32 v15, $0x3  }
0xdb: {  	v15 =	vand.u32 $0x7, v15;
	v16 =	vand.u32 $0xFFFFFFC0, v16  }
0xdc: {  	v15 =	vor.u32 v15, v16  }
0xdd: {  	v16 =	vperm.xlane v15, v2;
	_ =	sdelay $0x1  }
0xde: {  	v16 =	vadd.s32 v3, v16;
	_ =	sdelay $0x4  }
0xdf: {  	[tilespmem:s29], [sflag:$0x1] =	stream.indirect_vreg.gather [hbm4b:s0+s6], $0x80, v16, vm0, $0xb8;
	[tilespmem:$0x1D100] =	vst v63  }
0xe0: {  	v15 =	vperm.xlane v15, v4  }
0xe1: {  	[tilespmem:s31], [sflag:$0x1] =	stream.indirect_vreg.gather [hbm4b:s7+s6], $0x80, v16, vm0, $0xb8;
	[tilespmem:$0x1D100] =	vst v63  }
0xe2: {  	v15 =	vadd.s32 v3, v15  }
0xe3: {  	[tilespmem:s5], [sflag:$0x1] =	stream.indirect_vreg.gather [hbm4b:s8+s6], $0x80, v16, vm0, $0xb8;
	[tilespmem:$0x1D100] =	vst v63  }
0xe4: {  	_ = 	snop  }
0xe5: {  	[tilespmem:s1], [sflag:$0x1] =	stream.indirect_vreg.gather [hbm4b:s9+s6], $0x80, v16, vm0, $0xb8;
	[tilespmem:$0x1D100] =	vst v63  }
0xe6: {  	_ = 	snop  }
0xe7: {  	[tilespmem:s3], [sflag:$0x1] =	stream.indirect_vreg.gather [hbm4b:s0+s6], $0x80, v15, vm0, $0xb8;
	[tilespmem:$0x1D100] =	vst v63  }
0xe8: {  	_ = 	snop  }
0xe9: {  	[tilespmem:s22], [sflag:$0x1] =	stream.indirect_vreg.gather [hbm4b:s7+s6], $0x80, v15, vm0, $0xb8;
	[tilespmem:$0x1D100] =	vst v63  }
0xea: {  	_ = 	snop  }
0xeb: {  	[tilespmem:s23], [sflag:$0x1] =	stream.indirect_vreg.gather [hbm4b:s8+s6], $0x80, v15, vm0, $0xb8;
	[tilespmem:$0x1D100] =	vst v63  }
0xec: {  	_ = 	snop  }
0xed: {  	[tilespmem:s18], [sflag:$0x1] =	stream.indirect_vreg.gather [hbm4b:s9+s6], $0x80, v15, vm0, $0xb8;
	[tilespmem:$0x1D100] =	vst v63  }
0xee: {  	v15 =	vld [tilespmem:s14+$0x0];
	_ =	sdelay $0x4  }
0xef: {  	v63 =	vshll.u32 v15, $0x3  }
0xf0: {  	v15 =	vand.u32 $0x7, v15;
	v16 =	vand.u32 $0xFFFFFFC0, v63  }
0xf1: {  	v15 =	vor.u32 v15, v16  }
0xf2: {  	v16 =	vperm.xlane v15, v2;
	_ =	sdelay $0x1  }
0xf3: {  	v16 =	vadd.s32 v3, v16;
	_ =	sdelay $0x4  }
0xf4: {  	[tilespmem:s15], [sflag:$0x1] =	stream.indirect_vreg.gather [hbm4b:s0+s6], $0x80, v16, vm0, $0xb8;
	[tilespmem:$0x1D100] =	vst v63  }
0xf5: {  	v15 =	vperm.xlane v15, v4  }
0xf6: {  	[tilespmem:s10], [sflag:$0x1] =	stream.indirect_vreg.gather [hbm4b:s7+s6], $0x80, v16, vm0, $0xb8;
	[tilespmem:$0x1D100] =	vst v63  }
0xf7: {  	v15 =	vadd.s32 v3, v15  }
0xf8: {  	[tilespmem:s11], [sflag:$0x1] =	stream.indirect_vreg.gather [hbm4b:s8+s6], $0x80, v16, vm0, $0xb8;
	[tilespmem:$0x1D100] =	vst v63  }
0xf9: {  	_ = 	snop  }
0xfa: {  	[tilespmem:s12], [sflag:$0x1] =	stream.indirect_vreg.gather [hbm4b:s9+s6], $0x80, v16, vm0, $0xb8;
	[tilespmem:$0x1D100] =	vst v63  }
0xfb: {  	_ = 	snop  }
0xfc: {  	[tilespmem:s13], [sflag:$0x1] =	stream.indirect_vreg.gather [hbm4b:s0+s6], $0x80, v15, vm0, $0xb8;
	[tilespmem:$0x1D100] =	vst v63  }
0xfd: {  	_ = 	snop  }
0xfe: {  	[tilespmem:s16], [sflag:$0x1] =	stream.indirect_vreg.gather [hbm4b:s7+s6], $0x80, v15, vm0, $0xb8;
	[tilespmem:$0x1D100] =	vst v63  }
0xff: {  	_ = 	snop  }
0x100: {  	[tilespmem:s28], [sflag:$0x1] =	stream.indirect_vreg.gather [hbm4b:s8+s6], $0x80, v15, vm0, $0xb8;
	[tilespmem:$0x1D100] =	vst v63  }
0x101: {  	_ = 	snop  }
0x102: {  	[tilespmem:s4], [sflag:$0x1] =	stream.indirect_vreg.gather [hbm4b:s9+s6], $0x80, v15, vm0, $0xb8;
	[tilespmem:$0x1D100] =	vst v63  }
0x103: {  	_ =	swait.ge [sflag:s24], $0x8000  }
0x104: {  	p0 =	seq.s32 s17, $0x1;
	s31 =	sshrl.u32 s30, $0x3;
	[sflag:s24] =	ssyncset.done $0x0  }
.Ltmp7:
0x105: {  	s31 =	sadd.s32 s2, s31;
	[sflag:s24] =	ssyncadd.s32 $0xFFFF8000;
	(pc) =	sbr.rel @!p0 .LBB2_29-.Ltmp7, $4  }
0x106: {  	[hbm4b:s31+s6] =	stream.linear.scatter [tilespmem:s29], [sflag:$0x2], $0x8000, $0x38;
	[tilespmem:$0x1D100] =	vst v63  }
0x107: {  	_ =	swait.ge [sflag:s19], $0x8000  }
0x108: {  	s17 =	sadd.s32 $0xFFFFFFFF, s17;
	s30 =	sadd.s32 $0x8000, s30;
	[sflag:s19] =	ssyncset.done $0x0  }
0x109: {  	s14 =	sadd.s32 $0x20, s14;
	s31 =	simm.s32 $0xC880;
	[sflag:s19] =	ssyncadd.s32 $0xFFFF8000  }
.LBB2_10:
0x10a: {  	s1 =	rddreg [dreg:$0x15]  }
0x10b: {  	p0 =	sgt.u32 s1, $0x1FF  }
.Ltmp8:
0x10c: {  	_ = 	snop;
	(pc) =	sbr.rel @p0 .LBB2_14-.Ltmp8, $2  }
0x10d: {  	_ =	sdelay $0x2  }
0x10e: {  	s1 =	rddreg [dreg:$0x11]  }
0x10f: {  	s2 =	rddreg [dreg:$0x13]  }
0x110: {  	s14 =	ssub.s32 $0x10, s2  }
0x111: {  	p0 =	sne.s32 s14, $0x1  }
.Ltmp9:
0x112: {  	s30 =	rddreg [dreg:$0xc];
	s17 =	sshll.u32 s2, $0xC;
	(pc) =	sbr.rel @!p0 .LBB2_13-.Ltmp9, $4  }
0x113: {  	s4 =	sadd.s32 s17, s30  }
0x114: {  	[hbm4b:s4+s6] =	stream.linear.scatter [tilespmem:s21], [sflag:$0x2], $0x8000, $0x38;
	[tilespmem:$0x1D100] =	vst v63  }
0x115: {  	_ =	swait.ge [sflag:s19], $0x8000  }
0x116: {  	s14 =	sadd.s32 $0xFFFFFFFF, s14;
	[sflag:s19] =	ssyncset.done $0x0  }
.LBB2_12:
0x117: {  	p0 =	sne.s32 s14, $0x1;
	[sflag:s19] =	ssyncadd.s32 $0xFFFF8000;
	s4 =	sadd.s32 $0x1000, s4  }
.Ltmp10:
0x118: {  	s14 =	sadd.s32 $0xFFFFFFFF, s14;
	(pc) =	sbr.rel @p0 .LBB2_12-.Ltmp10, $4  }
0x119: {  	_ = 	snop  }
0x11a: {  	[hbm4b:s4+s6] =	stream.linear.scatter [tilespmem:s21], [sflag:$0x2], $0x8000, $0x38;
	[tilespmem:$0x1D100] =	vst v63  }
0x11b: {  	_ =	swait.ge [sflag:s19], $0x8000  }
0x11c: {  	[sflag:s19] =	ssyncset.done $0x0  }
.LBB2_13:
0x11d: {  	[sflag:s19] =	ssyncadd.s32 $0xFFFF8000  }
.LBB2_14:
0x11e: {  	v15 =	vmov s1  }
0x11f: {  	s14 =	simm.s32 $0x0;
	s2 =	rddreg [dreg:$0x8];
	s4 =	simm.s32 $0x1D080;
	[tilespmem:$0x1D080] =	vst v15  }
0x120: {  	[hbm4b:s2+s14] =	stream.linear.scatter [tilespmem:s4], [sflag:$0x2], $0x10, $0x38;
	[tilespmem:$0x1D100] =	vst v63  }
0x121: {  	_ =	swait.ge [sflag:s19], $0x10  }
0x122: {  	[sflag:s19] =	ssyncset.done $0x0  }
0x123: {  	[sflag:s19] =	ssyncadd.s32 $0xFFFFFFF0  }
0x124: {  	[tilespmem:$0x8000] =	vst v11  }
0x125: {  	[tilespmem:$0x8010] =	vst v11  }
0x126: {  	[tilespmem:$0x8020] =	vst v11  }
0x127: {  	[tilespmem:$0x8030] =	vst v11  }
0x128: {  	[tilespmem:$0x8040] =	vst v11  }
0x129: {  	[tilespmem:$0x8050] =	vst v11  }
0x12a: {  	[tilespmem:$0x8060] =	vst v11  }
0x12b: {  	[tilespmem:$0x8070] =	vst v11  }
0x12c: {  	[tilespmem:$0x8080] =	vst v11  }
0x12d: {  	[tilespmem:$0x8090] =	vst v11  }
0x12e: {  	[tilespmem:$0x80A0] =	vst v11  }
0x12f: {  	[tilespmem:$0x80B0] =	vst v11  }
0x130: {  	[tilespmem:$0x80C0] =	vst v11  }
0x131: {  	[tilespmem:$0x80D0] =	vst v11  }
0x132: {  	[tilespmem:$0x80E0] =	vst v11  }
0x133: {  	[tilespmem:$0x80F0] =	vst v11  }
0x134: {  	[tilespmem:$0x8100] =	vst v11  }
0x135: {  	[tilespmem:$0x8110] =	vst v11  }
0x136: {  	[tilespmem:$0x8120] =	vst v11  }
0x137: {  	[tilespmem:$0x8130] =	vst v11  }
0x138: {  	[tilespmem:$0x8140] =	vst v11  }
0x139: {  	[tilespmem:$0x8150] =	vst v11  }
0x13a: {  	[tilespmem:$0x8160] =	vst v11  }
0x13b: {  	[tilespmem:$0x8170] =	vst v11  }
0x13c: {  	[tilespmem:$0x8180] =	vst v11  }
0x13d: {  	[tilespmem:$0x8190] =	vst v11  }
0x13e: {  	[tilespmem:$0x81A0] =	vst v11  }
0x13f: {  	[tilespmem:$0x81B0] =	vst v11  }
0x140: {  	[tilespmem:$0x81C0] =	vst v11  }
0x141: {  	[tilespmem:$0x81D0] =	vst v11  }
0x142: {  	[tilespmem:$0x81E0] =	vst v11  }
0x143: {  	[tilespmem:$0x81F0] =	vst v11  }
0x144: {  	[tilespmem:$0x8200] =	vst v11  }
0x145: {  	[tilespmem:$0x8210] =	vst v11  }
0x146: {  	[tilespmem:$0x8220] =	vst v11  }
0x147: {  	[tilespmem:$0x8230] =	vst v11  }
0x148: {  	v15 =	vld [tilespmem:s14+$0x0];
	_ =	sdelay $0x4  }
0x149: {  	vm1 =	veq.s32 v15, v5  }
0x14a: {  	v15 =	vsel vm1, $0x1, v12  }
0x14b: {  	(xrf0) =	vadd.scan.msk.s32 $0xffff, v15;
	_ =	sdelay $0x5  }
0x14c: {  	s30 =	simm.s32 $0xFFFFFFFF;
	v15, _, _ =	vpop (xrf0)  }
0x14d: {  	v16 =	vadd.s32 s30, v15;
	(v2sf) =	vpush v15, $0xF;
	_ =	sdelay $0x3  }
0x14e: {  	v17 =	vor.u32 s14, v1  }
0x14f: {  	s4 =	simm.s32 $0x10;
	[tilespmem:v16+s25+$0x0] =	vst.idx.msk vm1, v17  }
0x150: {  	s17 =	simm.s32 $0x20;
	s28 =	simm.s32 $0x10;
	v15 =	vld [tilespmem:s4+$0x0]  }
.LBB2_15:
0x151: {  	p0 =	sne.s32 s17, $0x3FF0;
	_ =	sdelay $0x3  }
0x152: {  	vm1 =	veq.s32 v15, v5  }
0x153: {  	v15 =	vsel vm1, $0x1, v12  }
0x154: {  	(xrf0) =	vadd.scan.msk.s32 $0xffff, v15;
	_ =	sdelay $0x1  }
0x155: {  	s30 =	spop (v2sf)  }
0x156: {  	s14 =	sadd.s32 s14, s30  }
0x157: {  	s30 =	sadd.s32 $0xFFFFFFFF, s14;
	_ =	sdelay $0x1  }
0x158: {  	v15, _, _ =	vpop (xrf0)  }
0x159: {  	v16 =	vadd.s32 s30, v15;
	(v2sf) =	vpush v15, $0xF;
	_ =	sdelay $0x1  }
.Ltmp11:
0x15a: {  	(pc) =	sbr.rel @p0 .LBB2_15-.Ltmp11, $4  }
0x15b: {  	_ = 	snop  }
0x15c: {  	v15 =	vor.u32 s4, v1;
	s4 =	smov.u32 s17  }
0x15d: {  	s28 =	sadd.s32 $0x10, s28;
	[tilespmem:v16+s25+$0x0] =	vst.idx.msk vm1, v15  }
0x15e: {  	s17 =	sadd.s32 $0x10, s17;
	v15 =	vld [tilespmem:s28+$0x0]  }
0x15f: {  	_ =	sdelay $0x3  }
0x160: {  	vm1 =	veq.s32 v15, v5  }
0x161: {  	v15 =	vsel vm1, $0x1, v12  }
0x162: {  	(xrf0) =	vadd.scan.msk.s32 $0xffff, v15;
	_ =	sdelay $0x5  }
0x163: {  	v15, _, _ =	vpop (xrf0)  }
0x164: {  	(v2sf) =	vpush v15, $0xF;
	_ =	sdelay $0x7  }
0x165: {  	s17 =	spop (v2sf)  }
0x166: {  	s14 =	sadd.s32 s14, s17  }
0x167: {  	s17 =	sadd.s32 $0xFFFFFFFF, s14  }
0x168: {  	v15 =	vadd.s32 s17, v15;
	_ =	sdelay $0x3  }
0x169: {  	v16 =	vor.u32 s4, v1;
	s30 =	spop (v2sf)  }
0x16a: {  	s4 =	simm.s32 $0x40;
	[tilespmem:v15+s25+$0x0] =	vst.idx.msk vm1, v16;
	s1 =	sadd.s32 s14, s30;
	s14 =	simm.s32 $0x0  }
.LBB2_17:
0x16b: {  	p0 =	sne.s32 s4, $0x3FC0;
	[tilespmem:s14+$0x1C080] =	vst v13;
	s14 =	smov.u32 s4;
	s4 =	sadd.s32 $0x40, s4  }
.Ltmp12:
0x16c: {  	(pc) =	sbr.rel @p0 .LBB2_17-.Ltmp12, $2  }
0x16d: {  	_ =	sdelay $0x2  }
0x16e: {  	s14 =	sshra.s32 s14, $0x2  }
0x16f: {  	[tilespmem:s14+$0x1C080] =	vst v13;
	s17 =	simm.s32 $0x8000  }
0x170: {  	v16 =	vld [tilespmem:s17+$0x0];
	_ =	sdelay $0x1  }
0x171: {  	p0 =	slt.s32 s1, $0x200;
	s14 =	smov.u32 s1  }
0x172: {  	s4 =	simm.s32 $0x0;
	s14 =	simm.s32 @!p0 $0x200  }
0x173: {  	v17 =	vor.u32 s4, v1;
	v15 =	vmov s14  }
0x174: {  	vm1 =	vlt.s32 v17, v15;
	v18 =	vand.u32 $0x3FFF, v16  }
0x175: {  	v17 =	vshll.u32 v17, $0x3  }
0x176: {  	v19 =	vor.u32 $0x1, v17  }
0x177: {  	v22 =	vor.u32 $0x2, v17;
	v20 =	vshrl.u32 v16, $0xC;
	v21 =	vshrl.u32 v16, $0x1  }
0x178: {  	v23 =	vor.u32 $0x3, v17;
	v21 =	vand.u32 $0x7FF, v21;
	v20 =	vcvt.s32.f32 v20  }
0x179: {  	v24 =	vor.u32 $0x4, v17;
	v16 =	vand.u32 $0x1, v16;
	v21 =	vcvt.s32.f32 v21;
	v18 =	vld.idx.msk [tilespmem:v18+s20+$0x0], $0xffff  }
0x17a: {  	v63 =	vor.u32 $0x5, v17;
	v16 =	vcvt.s32.f32 v16;
	[tilespmem:v17+s26+$0x0] =	vst.idx.msk vm1, v20  }
0x17b: {  	[tilespmem:v19+s26+$0x0] =	vst.idx.msk vm1, v21;
	v19 =	vor.u32 $0x6, v17  }
0x17c: {  	[tilespmem:v22+s26+$0x0] =	vst.idx.msk vm1, v16  }
0x17d: {  	v16 =	vor.u32 $0x7, v17;
	[tilespmem:v23+s26+$0x0] =	vst.idx.msk vm1, v7  }
0x17e: {  	[tilespmem:v24+s26+$0x0] =	vst.idx.msk vm1, v18  }
0x17f: {  	[tilespmem:v63+s26+$0x0] =	vst.idx.msk vm1, v14  }
0x180: {  	s28 =	simm.s32 $0x10;
	[tilespmem:v19+s26+$0x0] =	vst.idx.msk vm1, v14  }
.LBB2_19:
0x181: {  	p0 =	sne.s32 s28, $0x1F0  }
0x182: {  	[tilespmem:v16+s26+$0x0] =	vst.idx.msk vm1, v14;
	s17 =	sadd.s32 $0x10, s17;
	s4 =	smov.u32 s28;
	s28 =	sadd.s32 $0x10, s28  }
0x183: {  	v16 =	vld [tilespmem:s17+$0x0];
	_ =	sdelay $0x3  }
0x184: {  	v17 =	vor.u32 s4, v1  }
0x185: {  	v18 =	vshrl.u32 v16, $0xC;
	v19 =	vshrl.u32 v16, $0x1;
	v20 =	vand.u32 $0x3FFF, v16  }
0x186: {  	vm1 =	vlt.s32 v17, v15;
	v16 =	vand.u32 $0x1, v16;
	v19 =	vand.u32 $0x7FF, v19  }
0x187: {  	v17 =	vshll.u32 v17, $0x3  }
0x188: {  	v21 =	vor.u32 $0x1, v17  }
0x189: {  	v22 =	vor.u32 $0x2, v17  }
0x18a: {  	v23 =	vor.u32 $0x3, v17;
	v18 =	vcvt.s32.f32 v18;
	v20 =	vld.idx.msk [tilespmem:v20+s20+$0x0], $0xffff  }
0x18b: {  	v24 =	vor.u32 $0x4, v17;
	v19 =	vcvt.s32.f32 v19  }
0x18c: {  	v16 =	vcvt.s32.f32 v16;
	[tilespmem:v17+s26+$0x0] =	vst.idx.msk vm1, v18;
	v18 =	vor.u32 $0x5, v17  }
0x18d: {  	[tilespmem:v21+s26+$0x0] =	vst.idx.msk vm1, v19;
	v19 =	vor.u32 $0x6, v17  }
.Ltmp13:
0x18e: {  	[tilespmem:v22+s26+$0x0] =	vst.idx.msk vm1, v16;
	v16 =	vor.u32 $0x7, v17;
	(pc) =	sbr.rel @p0 .LBB2_19-.Ltmp13, $4  }
0x18f: {  	[tilespmem:v23+s26+$0x0] =	vst.idx.msk vm1, v7  }
0x190: {  	[tilespmem:v24+s26+$0x0] =	vst.idx.msk vm1, v20  }
0x191: {  	[tilespmem:v18+s26+$0x0] =	vst.idx.msk vm1, v14  }
0x192: {  	[tilespmem:v19+s26+$0x0] =	vst.idx.msk vm1, v14  }
0x193: {  	_ =	sdelay $0x3  }
0x194: {  	[dreg:$0x12] =	wrdreg s1  }
0x195: {  	[tilespmem:v16+s26+$0x0] =	vst.idx.msk vm1, v14;
	s4 =	simm.s32 $0x0;
	s2 =	rddreg [dreg:$0x9]  }
0x196: {  	[hbm4b:s2+s4] =	stream.linear.scatter [tilespmem:s26], [sflag:$0x2], $0x1000, $0x38;
	[tilespmem:$0x1D100] =	vst v63  }
0x197: {  	_ =	swait.ge [sflag:s19], $0x1000  }
0x198: {  	[sflag:s19] =	ssyncset.done $0x0  }
0x199: {  	s17 =	simm.s32 $0x40;
	s4 =	simm.s32 $0x0;
	[sflag:s19] =	ssyncadd.s32 $0xFFFFF000  }
.LBB2_21:
0x19a: {  	p0 =	sne.s32 s17, $0x7C0;
	v15 =	vld [tilespmem:s4+$0x8000];
	_ =	sdelay $0x1  }
.Ltmp14:
0x19b: {  	(pc) =	sbr.rel @p0 .LBB2_21-.Ltmp14, $3  }
0x19c: {  	_ =	sdelay $0x1  }
0x19d: {  	v15 =	vshrl.u32 v15, $0x1  }
0x19e: {  	[tilespmem:s4+$0x8000] =	vst v15;
	s4 =	sshra.s32 s17, $0x2;
	s17 =	sadd.s32 $0x40, s17  }
0x19f: {  	s30 =	rddreg [dreg:$0xe]  }
0x1a0: {  	s1 =	sadd.s32 $0x1F, s14;
	s14 =	rddreg [dreg:$0x3]  }
0x1a1: {  	v15 =	vld [tilespmem:s4+$0x8000];
	s28 =	simm.s32 $0x8010;
	[dreg:$0x16] =	wrdreg s1;
	s1 =	sshrl.u32 s1, $0x5  }
0x1a2: {  	s5 =	simm.s32 $0xD080;
	s3 =	simm.s32 $0xE080;
	p0 =	sne.s32 s1, $0x0  }
.Ltmp15:
0x1a3: {  	s22 =	simm.s32 $0xE880;
	s23 =	simm.s32 $0xF080;
	(pc) =	sbr.rel @!p0 .LBB2_23-.Ltmp15, $4  }
0x1a4: {  	s18 =	simm.s32 $0xF880;
	s15 =	simm.s32 $0x10080;
	s10 =	simm.s32 $0x10880  }
0x1a5: {  	s11 =	simm.s32 $0x11080;
	s12 =	simm.s32 $0x11880;
	s13 =	simm.s32 $0x12080  }
0x1a6: {  	s16 =	simm.s32 $0x12880;
	s17 =	simm.s32 $0x13080;
	s2 =	simm.s32 $0x13880;
	v15 =	vshrl.u32 v15, $0x1  }
0x1a7: {  	[dreg:$0x14] =	wrdreg s1;
	[tilespmem:s4+$0x8000] =	vst v15;
	s4 =	smov.u32 s1;
	s1 =	simm.s32 $0xD880  }
.LBB2_30:
0x1a8: {  	v15 =	vld [tilespmem:s28+$0xFFFFFFF0];
	_ =	sdelay $0x4  }
0x1a9: {  	v16 =	vshll.u32 v15, $0x3  }
0x1aa: {  	v15 =	vand.u32 $0x7, v15;
	v16 =	vand.u32 $0xFFFFFFC0, v16  }
0x1ab: {  	v15 =	vor.u32 v15, v16  }
0x1ac: {  	v16 =	vperm.xlane v15, v2;
	_ =	sdelay $0x1  }
0x1ad: {  	v16 =	vadd.s32 v3, v16;
	_ =	sdelay $0x4  }
0x1ae: {  	[tilespmem:s29], [sflag:$0x1] =	stream.indirect_vreg.gather [hbm4b:s0+s6], $0x80, v16, vm0, $0xb8;
	[tilespmem:$0x1D100] =	vst v63  }
0x1af: {  	v15 =	vperm.xlane v15, v4  }
0x1b0: {  	[tilespmem:s31], [sflag:$0x1] =	stream.indirect_vreg.gather [hbm4b:s7+s6], $0x80, v16, vm0, $0xb8;
	[tilespmem:$0x1D100] =	vst v63  }
0x1b1: {  	v15 =	vadd.s32 v3, v15  }
0x1b2: {  	[tilespmem:s5], [sflag:$0x1] =	stream.indirect_vreg.gather [hbm4b:s8+s6], $0x80, v16, vm0, $0xb8;
	[tilespmem:$0x1D100] =	vst v63  }
0x1b3: {  	_ = 	snop  }
0x1b4: {  	[tilespmem:s1], [sflag:$0x1] =	stream.indirect_vreg.gather [hbm4b:s9+s6], $0x80, v16, vm0, $0xb8;
	[tilespmem:$0x1D100] =	vst v63  }
0x1b5: {  	_ = 	snop  }
0x1b6: {  	[tilespmem:s3], [sflag:$0x1] =	stream.indirect_vreg.gather [hbm4b:s0+s6], $0x80, v15, vm0, $0xb8;
	[tilespmem:$0x1D100] =	vst v63  }
0x1b7: {  	_ = 	snop  }
0x1b8: {  	[tilespmem:s22], [sflag:$0x1] =	stream.indirect_vreg.gather [hbm4b:s7+s6], $0x80, v15, vm0, $0xb8;
	[tilespmem:$0x1D100] =	vst v63  }
0x1b9: {  	_ = 	snop  }
0x1ba: {  	[tilespmem:s23], [sflag:$0x1] =	stream.indirect_vreg.gather [hbm4b:s8+s6], $0x80, v15, vm0, $0xb8;
	[tilespmem:$0x1D100] =	vst v63  }
0x1bb: {  	_ = 	snop  }
0x1bc: {  	[tilespmem:s18], [sflag:$0x1] =	stream.indirect_vreg.gather [hbm4b:s9+s6], $0x80, v15, vm0, $0xb8;
	[tilespmem:$0x1D100] =	vst v63  }
0x1bd: {  	v15 =	vld [tilespmem:s28+$0x0];
	_ =	sdelay $0x4  }
0x1be: {  	v63 =	vshll.u32 v15, $0x3  }
0x1bf: {  	v15 =	vand.u32 $0x7, v15;
	v16 =	vand.u32 $0xFFFFFFC0, v63  }
0x1c0: {  	v15 =	vor.u32 v15, v16  }
0x1c1: {  	v16 =	vperm.xlane v15, v2;
	_ =	sdelay $0x1  }
0x1c2: {  	v16 =	vadd.s32 v3, v16;
	_ =	sdelay $0x4  }
0x1c3: {  	[tilespmem:s15], [sflag:$0x1] =	stream.indirect_vreg.gather [hbm4b:s0+s6], $0x80, v16, vm0, $0xb8;
	[tilespmem:$0x1D100] =	vst v63  }
0x1c4: {  	v15 =	vperm.xlane v15, v4  }
0x1c5: {  	[tilespmem:s10], [sflag:$0x1] =	stream.indirect_vreg.gather [hbm4b:s7+s6], $0x80, v16, vm0, $0xb8;
	[tilespmem:$0x1D100] =	vst v63  }
0x1c6: {  	v15 =	vadd.s32 v3, v15  }
0x1c7: {  	[tilespmem:s11], [sflag:$0x1] =	stream.indirect_vreg.gather [hbm4b:s8+s6], $0x80, v16, vm0, $0xb8;
	[tilespmem:$0x1D100] =	vst v63  }
0x1c8: {  	_ = 	snop  }
0x1c9: {  	[tilespmem:s12], [sflag:$0x1] =	stream.indirect_vreg.gather [hbm4b:s9+s6], $0x80, v16, vm0, $0xb8;
	[tilespmem:$0x1D100] =	vst v63  }
0x1ca: {  	_ = 	snop  }
0x1cb: {  	[tilespmem:s13], [sflag:$0x1] =	stream.indirect_vreg.gather [hbm4b:s0+s6], $0x80, v15, vm0, $0xb8;
	[tilespmem:$0x1D100] =	vst v63  }
0x1cc: {  	_ = 	snop  }
0x1cd: {  	[tilespmem:s16], [sflag:$0x1] =	stream.indirect_vreg.gather [hbm4b:s7+s6], $0x80, v15, vm0, $0xb8;
	[tilespmem:$0x1D100] =	vst v63  }
0x1ce: {  	_ = 	snop  }
0x1cf: {  	[tilespmem:s17], [sflag:$0x1] =	stream.indirect_vreg.gather [hbm4b:s8+s6], $0x80, v15, vm0, $0xb8;
	[tilespmem:$0x1D100] =	vst v63  }
0x1d0: {  	_ = 	snop  }
0x1d1: {  	[tilespmem:s2], [sflag:$0x1] =	stream.indirect_vreg.gather [hbm4b:s9+s6], $0x80, v15, vm0, $0xb8;
	[tilespmem:$0x1D100] =	vst v63  }
0x1d2: {  	_ =	swait.ge [sflag:s24], $0x8000  }
0x1d3: {  	p0 =	seq.s32 s4, $0x1;
	s31 =	sshrl.u32 s30, $0x3;
	[sflag:s24] =	ssyncset.done $0x0  }
.Ltmp16:
0x1d4: {  	s31 =	sadd.s32 s14, s31;
	[sflag:s24] =	ssyncadd.s32 $0xFFFF8000;
	(pc) =	sbr.rel @!p0 .LBB2_30-.Ltmp16, $4  }
0x1d5: {  	[hbm4b:s31+s6] =	stream.linear.scatter [tilespmem:s29], [sflag:$0x2], $0x8000, $0x38;
	[tilespmem:$0x1D100] =	vst v63  }
0x1d6: {  	_ =	swait.ge [sflag:s19], $0x8000  }
0x1d7: {  	s4 =	sadd.s32 $0xFFFFFFFF, s4;
	s30 =	sadd.s32 $0x8000, s30;
	[sflag:s19] =	ssyncset.done $0x0  }
0x1d8: {  	s28 =	sadd.s32 $0x20, s28;
	s31 =	simm.s32 $0xC880;
	[sflag:s19] =	ssyncadd.s32 $0xFFFF8000  }
.LBB2_23:
0x1d9: {  	s1 =	rddreg [dreg:$0x16]  }
0x1da: {  	p0 =	sgt.u32 s1, $0x1FF  }
.Ltmp17:
0x1db: {  	_ = 	snop;
	(pc) =	sbr.rel @p0 .LBB2_27-.Ltmp17, $2  }
0x1dc: {  	_ =	sdelay $0x2  }
0x1dd: {  	s1 =	rddreg [dreg:$0x10]  }
0x1de: {  	s2 =	rddreg [dreg:$0x14]  }
0x1df: {  	s14 =	ssub.s32 $0x10, s2  }
0x1e0: {  	p0 =	sne.s32 s14, $0x1  }
.Ltmp18:
0x1e1: {  	s30 =	rddreg [dreg:$0xf];
	s4 =	sshll.u32 s2, $0xC;
	(pc) =	sbr.rel @!p0 .LBB2_26-.Ltmp18, $4  }
0x1e2: {  	s4 =	sadd.s32 s4, s30  }
0x1e3: {  	[hbm4b:s4+s6] =	stream.linear.scatter [tilespmem:s21], [sflag:$0x2], $0x8000, $0x38;
	[tilespmem:$0x1D100] =	vst v63  }
0x1e4: {  	_ =	swait.ge [sflag:s19], $0x8000  }
0x1e5: {  	s14 =	sadd.s32 $0xFFFFFFFF, s14;
	[sflag:s19] =	ssyncset.done $0x0  }
.LBB2_25:
0x1e6: {  	p0 =	sne.s32 s14, $0x1;
	[sflag:s19] =	ssyncadd.s32 $0xFFFF8000;
	s4 =	sadd.s32 $0x1000, s4  }
.Ltmp19:
0x1e7: {  	s14 =	sadd.s32 $0xFFFFFFFF, s14;
	(pc) =	sbr.rel @p0 .LBB2_25-.Ltmp19, $4  }
0x1e8: {  	_ = 	snop  }
0x1e9: {  	[hbm4b:s4+s6] =	stream.linear.scatter [tilespmem:s21], [sflag:$0x2], $0x8000, $0x38;
	[tilespmem:$0x1D100] =	vst v63  }
0x1ea: {  	_ =	swait.ge [sflag:s19], $0x8000  }
0x1eb: {  	[sflag:s19] =	ssyncset.done $0x0  }
.Ltmp20:
0x1ec: {  	_ = 	snop;
	(pc) =	sbr.rel .LBB2_26-.Ltmp20, $1  }
0x1ed: {  	_ =	sdelay $0x3  }
.LBB2_28:
0x1ee: {  	_ =	sfence.sel $0x180000  }
0x1ef: {  	[bflag:$0x0] =	sbarrier.arrive $0xFFFF  }
0x1f0: {  	_ =	strace $0x90000047  }
0x1f1: {  	s0 =	stileid.u32;
	[bflag:$0x2] =	sbarrier.arrive $0xFFFF  }
0x1f2: {  	p0 =	sne.s32 s0, $0x0;
	s0 =	rddreg [dreg:$0x6]  }
0x1f3: {  	s0 =	sadd.s32 @!p0 $0x100000, s0  }
0x1f4: {  	[sflag:s0] =	ssyncadd.tile.s32 @!p0 $0x1;
	_ =	shalt  }
.Lfunc_end2:
_tile_overlayer_lowered:
.L_overlay_start_2:
0x1f5: {  	(tag) =	ssettag $0x2  }
0x1f6: {  	s0 =	rddreg [dreg:$0x0];
	s2 =	stileid.u32  }
0x1f7: {  	s1 =	rddreg [dreg:$0x1];
	p0 =	sne.s32 s2, $0x0  }
0x1f8: {  	s3 =	rddreg [dreg:$0x2];
	[bflag:$0x3] =	sbarrier.arrive $0xFFFF;
	s2 =	simm.s32 @!p0 $0x1C02  }
0x1f9: {  	[timem:s3], [sflag:s2] =	dma.local @!p0 [hbm:s0], s1  }
0x1fa: {  	s0 =	simm.s32 @!p0 $0x2  }
0x1fb: {  	_ =	swait.ge @!p0 [sflag:s0], s1  }
0x1fc: {  	s1 =	ssub.s32 @!p0 $0x0, s1;
	[sflag:s0] =	ssyncset.done @!p0 $0x0  }
0x1fd: {  	[sflag:s0] =	ssyncadd.s32 @!p0 s1  }
0x1fe: {  	[bflag:$0x3] =	sbarrier.arrive $0xFFFF  }
0x1ff: {  	_ =	shalt  }

</sc_bundles>
